<compile_context>
chip_gen: v7x
topology: tpu7x:2x2x1
jax: 0.10.2.dev20260603
libtpu: 0.0.44.dev20260713+nightly
codegen_flags: <defaults>
</compile_context>

<pallas_src>
import functools

import jax
import jax.numpy as jnp
from jax import lax
from jax.experimental import pallas as pl
from jax.experimental.pallas import tpu as pltpu
from jax.experimental.pallas import tpu_sc as plsc

_VOCAB = 100000
_D = 128
_H = 512
_B = 16384

_NCHUNK = 2
_CB = _B // _NCHUNK

_NC, _NS = 2, 16
_NW = _NC * _NS
_BPW = _CB // _NW
_CROWS = min(_BPW, 128)
_CH = _BPW // _CROWS


def _sc_gather(qtab_hbm, etab_hbm, qids_hbm, eids_hbm, q_out, e_out,
               qidx_v, eidx_v, rows0, rows1, sem0, sem1):
    wid = lax.axis_index("s") * _NC + lax.axis_index("c")
    base = wid * _BPW
    pltpu.sync_copy(qids_hbm.at[pl.ds(base, _BPW)], qidx_v)
    pltpu.sync_copy(eids_hbm.at[pl.ds(base, _BPW)], eidx_v)
    bufs = (rows0, rows1)
    sems = (sem0, sem1)
    work = [(qtab_hbm, qidx_v, q_out, c) for c in range(_CH)]
    work += [(etab_hbm, eidx_v, e_out, c) for c in range(_CH)]

    def _start(j, buf, sem):
        tab, idx, _, c = work[j]
        pltpu.async_copy(tab.at[idx.at[pl.ds(c * _CROWS, _CROWS)]], buf, sem)

    _start(0, bufs[0], sems[0])
    for j in range(len(work)):
        if j + 1 < len(work):
            _start(j + 1, bufs[(j + 1) % 2], sems[(j + 1) % 2])
        tab, idx, out, c = work[j]
        buf = bufs[j % 2]
        pltpu.make_async_copy(tab.at[idx.at[pl.ds(c * _CROWS, _CROWS)]],
                              buf, sems[j % 2]).wait()
        pltpu.sync_copy(buf, out.at[pl.ds(base + c * _CROWS, _CROWS)])


@functools.lru_cache(maxsize=None)
def _gather_call():
    return pl.kernel(
        _sc_gather,
        mesh=plsc.VectorSubcoreMesh(core_axis_name="c", subcore_axis_name="s"),
        out_type=[
            jax.ShapeDtypeStruct((_CB, _D), jnp.float32),
            jax.ShapeDtypeStruct((_CB, _D), jnp.float32),
        ],
        scratch_types=[
            pltpu.VMEM((_BPW,), jnp.int32),
            pltpu.VMEM((_BPW,), jnp.int32),
            pltpu.VMEM((_CROWS, _D), jnp.float32),
            pltpu.VMEM((_CROWS, _D), jnp.float32),
            pltpu.SemaphoreType.DMA,
            pltpu.SemaphoreType.DMA,
        ],
    )


_BLK = 2048
_GSTEPS = _CB // _BLK
_C1 = 0.7978845608028654
_C2 = _C1 * 0.044715


def _gelu2(x):
    one = jnp.asarray(1.0, x.dtype)
    c1 = jnp.asarray(_C1, x.dtype)
    c2 = jnp.asarray(_C2, x.dtype)
    t = jnp.tanh(x * (c1 + c2 * (x * x)))
    return x * (one + t)


def _mlp_half(x_ref, w1, b1, w2, b2):
    h = _gelu2(
        jnp.dot(x_ref[...].astype(jnp.bfloat16), w1,
                preferred_element_type=jnp.float32).astype(jnp.bfloat16)
        + b1)
    return jnp.dot(h, w2, preferred_element_type=jnp.float32) + b2


def _mlp_body(xq_ref, xe_ref, w1_ref, b1_ref, w2_ref, b2_ref,
              oq_ref, oe_ref):
    w1 = w1_ref[...]
    w2 = w2_ref[...]
    b1 = b1_ref[...]
    b2 = b2_ref[...]
    oq_ref[...] = _mlp_half(xq_ref, w1, b1, w2, b2)
    oe_ref[...] = _mlp_half(xe_ref, w1, b1, w2, b2)


def _mlp_alias_body(xq_ref, xe_ref, w1_ref, b1_ref, w2_ref, b2_ref,
                    _aq_ref, _ae_ref, oq_ref, oe_ref):
    _mlp_body(xq_ref, xe_ref, w1_ref, b1_ref, w2_ref, b2_ref,
              oq_ref, oe_ref)


def _mlp_chunk(chunk, body_args, prev):
    off = chunk * _GSTEPS
    row_in = pl.BlockSpec((_BLK, _D), lambda i: (i, 0))
    row_out = pl.BlockSpec((_BLK, _D), lambda i, o=off: (i + o, 0))
    in_specs = [
        row_in,
        row_in,
        pl.BlockSpec((_D, _H), lambda i: (0, 0)),
        pl.BlockSpec((1, _H), lambda i: (0, 0)),
        pl.BlockSpec((_H, _D), lambda i: (0, 0)),
        pl.BlockSpec((1, _D), lambda i: (0, 0)),
    ]
    body = _mlp_body
    aliases = {}
    args = tuple(body_args)
    if chunk > 0:
        body = _mlp_alias_body
        in_specs += [pl.BlockSpec(memory_space=pl.ANY),
                     pl.BlockSpec(memory_space=pl.ANY)]
        aliases = {6: 0, 7: 1}
        args = args + tuple(prev)
    return pl.pallas_call(
        body,
        grid=(_GSTEPS,),
        in_specs=in_specs,
        out_specs=[row_out, row_out],
        out_shape=[
            jax.ShapeDtypeStruct((_B, _D), jnp.float32),
            jax.ShapeDtypeStruct((_B, _D), jnp.float32),
        ],
        input_output_aliases=aliases,
    )(*args)


@jax.jit
def kernel(query_ids, entity_ids, query_emb, ent_emb, W1, b1, W2, b2):
    qids = query_ids.astype(jnp.int32)
    eids = entity_ids.astype(jnp.int32)
    w1 = W1.astype(jnp.bfloat16)
    w2 = (0.5 * W2).astype(jnp.bfloat16)
    b1r = b1.astype(jnp.bfloat16).reshape(1, _H)
    b2r = b2.reshape(1, _D)
    gather = _gather_call()
    rows = [
        gather(query_emb, ent_emb,
               qids[c * _CB:(c + 1) * _CB], eids[c * _CB:(c + 1) * _CB])
        for c in range(_NCHUNK)
    ]
    out = None
    for c in range(_NCHUNK):
        qr, er = rows[c]
        out = _mlp_chunk(c, (qr, er, w1, b1r, w2, b2r), out)
    return out

# --- scband reference (transcript-rebuilt; emitter-appended) ---
"""Pipeline reference for scband-embedding-model-5128190951557 (READ-ONLY COPY).

The authoritative reference and input builder live on the scoring server;
editing this copy changes nothing except your own understanding.
"""

import jax, jax.numpy as jnp
import numpy as np

VOCAB = 100000
EMB_DIM = 128
INTER_DIM = 512
OUT_DIM = 128
BATCH = 16384


def setup_inputs(seed: int = 0) -> dict:
    key = jax.random.key(seed)
    k1, k2, k3, k4, k5, k6 = jax.random.split(key, 6)
    query_ids = jax.random.randint(k1, (BATCH,), 0, VOCAB, dtype=jnp.int64 if jax.config.jax_enable_x64 else jnp.int32)
    entity_ids = jax.random.randint(k2, (BATCH,), 0, VOCAB, dtype=jnp.int64 if jax.config.jax_enable_x64 else jnp.int32)
    query_emb = jax.random.normal(k3, (VOCAB, EMB_DIM), dtype=jnp.float32)
    ent_emb = jax.random.normal(k4, (VOCAB, EMB_DIM), dtype=jnp.float32)
    # xavier_uniform for linear layers, zeros for bias
    limit1 = float(np.sqrt(6.0 / (EMB_DIM + INTER_DIM)))
    W1 = jax.random.uniform(k5, (EMB_DIM, INTER_DIM), minval=-limit1, maxval=limit1, dtype=jnp.float32)
    b1 = jnp.zeros((INTER_DIM,), dtype=jnp.float32)
    limit2 = float(np.sqrt(6.0 / (INTER_DIM + OUT_DIM)))
    W2 = jax.random.uniform(k6, (INTER_DIM, OUT_DIM), minval=-limit2, maxval=limit2, dtype=jnp.float32)
    b2 = jnp.zeros((OUT_DIM,), dtype=jnp.float32)
    return {"query_ids": query_ids, "entity_ids": entity_ids, "query_emb": query_emb, "ent_emb": ent_emb, "W1": W1, "b1": b1, "W2": W2, "b2": b2}


def _adapter(x, W1, b1, W2, b2):
    h = x @ W1 + b1
    h = jax.nn.gelu(h)
    return h @ W2 + b2


def reference(query_ids, entity_ids, query_emb, ent_emb, W1, b1, W2, b2):
    q = jnp.take(query_emb, query_ids, axis=0)
    e = jnp.take(ent_emb, entity_ids, axis=0)
    query_embeds = _adapter(q, W1, b1, W2, b2)
    ent_embeds = _adapter(e, W1, b1, W2, b2)
    return (query_embeds, ent_embeds)

if __name__ == "__main__":
    import jax
    _d = setup_inputs()
    print(jax.jit(kernel)(*tuple(_d.values())))

</pallas_src>

<mosaic_0001>
#map = affine_map<(d0, d1) -> (0, 0)>
#map1 = affine_map<(d0, d1) -> (0)>
module attributes {stable_mosaic.version = 14 : i64} {
  func.func @_sc_gather(%arg0: i32, %arg1: i32, %arg2: memref<100000x128xf32, #tpu.memory_space<hbm>>, %arg3: memref<100000x128xf32, #tpu.memory_space<hbm>>, %arg4: memref<8192xi32, #tpu.memory_space<hbm>>, %arg5: memref<8192xi32, #tpu.memory_space<hbm>>, %arg6: memref<8192x128xf32, #tpu.memory_space<hbm>>, %arg7: memref<8192x128xf32, #tpu.memory_space<hbm>>, %arg8: memref<256xi32, #tpu.memory_space<vmem>>, %arg9: memref<256xi32, #tpu.memory_space<vmem>>, %arg10: memref<128x128xf32, #tpu.memory_space<vmem>>, %arg11: memref<128x128xf32, #tpu.memory_space<vmem>>, %arg12: memref<!tpu.dma_semaphore, #tpu.memory_space<semaphore_mem>>, %arg13: memref<!tpu.dma_semaphore, #tpu.memory_space<semaphore_mem>>) attributes {dimension_semantics = [#tpu.dimension_semantics<core_parallel>, #tpu.dimension_semantics<subcore_parallel>], iteration_bounds = array<i64: 2, 16>, scalar_prefetch = 0 : i64, scratch_operands = 6 : i64, tpu.core_type = #tpu.core_type<sc_vector_subcore>, window_params = [{transform_indices = #map}, {transform_indices = #map}, {transform_indices = #map1}, {transform_indices = #map1}, {transform_indices = #map}, {transform_indices = #map}]} {
    %mul3A = arith.constant 2 : i32
    %mul3A_0 = arith.muli %arg1, %mul3A : i32
    %add3A = arith.addi %mul3A_0, %arg0 : i32
    %mul3A_1 = arith.constant 256 : i32
    %mul3A_2 = arith.muli %add3A, %mul3A_1 : i32
    "tpu.region"() ({
      %run_scoped3A = tpu.sem_alloc : memref<!tpu.dma_semaphore, #tpu.memory_space<semaphore_mem>>
      %dma_start3A_49 = tpu.memref_slice %arg4[%mul3A_2] : memref<8192xi32, #tpu.memory_space<hbm>> -> memref<256xi32, #tpu.memory_space<hbm>>
      %dma_start3A_50 = tpu.memref_slice %arg4[%mul3A_2] : memref<8192xi32, #tpu.memory_space<hbm>> -> memref<256xi32, #tpu.memory_space<hbm>>
      tpu.enqueue_dma source(%dma_start3A_50 : memref<256xi32, #tpu.memory_space<hbm>>) target(%arg8 : memref<256xi32, #tpu.memory_space<vmem>>) target_semaphore(%run_scoped3A : memref<!tpu.dma_semaphore, #tpu.memory_space<semaphore_mem>>)
      %dma_wait3A_51 = tpu.memref_slice %arg4[%mul3A_2] : memref<8192xi32, #tpu.memory_space<hbm>> -> memref<256xi32, #tpu.memory_space<hbm>>
      %dma_wait3A_52 = tpu.memref_slice %arg4[%mul3A_2] : memref<8192xi32, #tpu.memory_space<hbm>> -> memref<256xi32, #tpu.memory_space<hbm>>
      tpu.wait_dma2 semaphore(%run_scoped3A : memref<!tpu.dma_semaphore, #tpu.memory_space<semaphore_mem>>) src(%dma_wait3A_52 : memref<256xi32, #tpu.memory_space<hbm>>) dst(%arg8 : memref<256xi32, #tpu.memory_space<vmem>>)
      tpu.yield
    }) : () -> ()
    "tpu.region"() ({
      %run_scoped3A = tpu.sem_alloc : memref<!tpu.dma_semaphore, #tpu.memory_space<semaphore_mem>>
      %dma_start3A_49 = tpu.memref_slice %arg5[%mul3A_2] : memref<8192xi32, #tpu.memory_space<hbm>> -> memref<256xi32, #tpu.memory_space<hbm>>
      %dma_start3A_50 = tpu.memref_slice %arg5[%mul3A_2] : memref<8192xi32, #tpu.memory_space<hbm>> -> memref<256xi32, #tpu.memory_space<hbm>>
      tpu.enqueue_dma source(%dma_start3A_50 : memref<256xi32, #tpu.memory_space<hbm>>) target(%arg9 : memref<256xi32, #tpu.memory_space<vmem>>) target_semaphore(%run_scoped3A : memref<!tpu.dma_semaphore, #tpu.memory_space<semaphore_mem>>)
      %dma_wait3A_51 = tpu.memref_slice %arg5[%mul3A_2] : memref<8192xi32, #tpu.memory_space<hbm>> -> memref<256xi32, #tpu.memory_space<hbm>>
      %dma_wait3A_52 = tpu.memref_slice %arg5[%mul3A_2] : memref<8192xi32, #tpu.memory_space<hbm>> -> memref<256xi32, #tpu.memory_space<hbm>>
      tpu.wait_dma2 semaphore(%run_scoped3A : memref<!tpu.dma_semaphore, #tpu.memory_space<semaphore_mem>>) src(%dma_wait3A_52 : memref<256xi32, #tpu.memory_space<hbm>>) dst(%arg9 : memref<256xi32, #tpu.memory_space<vmem>>)
      tpu.yield
    }) : () -> ()
    %dma_start3A = arith.constant 0 : i32
    %dma_start3A_3 = tpu.memref_slice %arg8[%dma_start3A] : memref<256xi32, #tpu.memory_space<vmem>> -> memref<128xi32, #tpu.memory_space<vmem>>
    %dma_start3A_4 = arith.constant 0 : i32
    %dma_start3A_5 = arith.constant 0 : i32
    %dma_start3A_6 = tpu.memref_slice %arg2[%dma_start3A_4, %dma_start3A_5] : memref<100000x128xf32, #tpu.memory_space<hbm>> -> memref<100000x128xf32, #tpu.memory_space<hbm>>
    tpu.enqueue_indirect_dma source(%dma_start3A_6 : memref<100000x128xf32, #tpu.memory_space<hbm>>) target(%arg10 : memref<128x128xf32, #tpu.memory_space<vmem>>) offsets(%dma_start3A_3 : memref<128xi32, #tpu.memory_space<vmem>>) semaphore(%arg12 : memref<!tpu.dma_semaphore, #tpu.memory_space<semaphore_mem>>)
    %dma_start3A_7 = arith.constant 128 : i32
    %dma_start3A_8 = tpu.memref_slice %arg8[%dma_start3A_7] : memref<256xi32, #tpu.memory_space<vmem>> -> memref<128xi32, #tpu.memory_space<vmem>>
    %dma_start3A_9 = arith.constant 0 : i32
    %dma_start3A_10 = arith.constant 0 : i32
    %dma_start3A_11 = tpu.memref_slice %arg2[%dma_start3A_9, %dma_start3A_10] : memref<100000x128xf32, #tpu.memory_space<hbm>> -> memref<100000x128xf32, #tpu.memory_space<hbm>>
    tpu.enqueue_indirect_dma source(%dma_start3A_11 : memref<100000x128xf32, #tpu.memory_space<hbm>>) target(%arg11 : memref<128x128xf32, #tpu.memory_space<vmem>>) offsets(%dma_start3A_8 : memref<128xi32, #tpu.memory_space<vmem>>) semaphore(%arg13 : memref<!tpu.dma_semaphore, #tpu.memory_space<semaphore_mem>>)
    %dma_wait3A = arith.constant 0 : i32
    %dma_wait3A_12 = tpu.memref_slice %arg8[%dma_wait3A] : memref<256xi32, #tpu.memory_space<vmem>> -> memref<128xi32, #tpu.memory_space<vmem>>
    %dma_wait3A_13 = arith.constant 0 : i32
    %dma_wait3A_14 = arith.constant 0 : i32
    %dma_wait3A_15 = tpu.memref_slice %arg2[%dma_wait3A_13, %dma_wait3A_14] : memref<100000x128xf32, #tpu.memory_space<hbm>> -> memref<100000x128xf32, #tpu.memory_space<hbm>>
    tpu.wait_indirect_dma semaphore(%arg12 : memref<!tpu.dma_semaphore, #tpu.memory_space<semaphore_mem>>) src(%dma_wait3A_15 : memref<100000x128xf32, #tpu.memory_space<hbm>>) dst(%arg10 : memref<128x128xf32, #tpu.memory_space<vmem>>)
    %add3A_16 = arith.constant 0 : i32
    %add3A_17 = arith.addi %mul3A_2, %add3A_16 : i32
    "tpu.region"() ({
      %run_scoped3A = tpu.sem_alloc : memref<!tpu.dma_semaphore, #tpu.memory_space<semaphore_mem>>
      %dma_start3A_49 = arith.constant 0 : i32
      %dma_start3A_50 = tpu.memref_slice %arg6[%add3A_17, %dma_start3A_49] : memref<8192x128xf32, #tpu.memory_space<hbm>> -> memref<128x128xf32, #tpu.memory_space<hbm>>
      %dma_start3A_51 = arith.constant 0 : i32
      %dma_start3A_52 = tpu.memref_slice %arg6[%add3A_17, %dma_start3A_51] : memref<8192x128xf32, #tpu.memory_space<hbm>> -> memref<128x128xf32, #tpu.memory_space<hbm>>
      tpu.enqueue_dma source(%arg10 : memref<128x128xf32, #tpu.memory_space<vmem>>) target(%dma_start3A_52 : memref<128x128xf32, #tpu.memory_space<hbm>>) target_semaphore(%run_scoped3A : memref<!tpu.dma_semaphore, #tpu.memory_space<semaphore_mem>>)
      %dma_wait3A_53 = arith.constant 0 : i32
      %dma_wait3A_54 = tpu.memref_slice %arg6[%add3A_17, %dma_wait3A_53] : memref<8192x128xf32, #tpu.memory_space<hbm>> -> memref<128x128xf32, #tpu.memory_space<hbm>>
      %dma_wait3A_55 = arith.constant 0 : i32
      %dma_wait3A_56 = tpu.memref_slice %arg6[%add3A_17, %dma_wait3A_55] : memref<8192x128xf32, #tpu.memory_space<hbm>> -> memref<128x128xf32, #tpu.memory_space<hbm>>
      tpu.wait_dma2 semaphore(%run_scoped3A : memref<!tpu.dma_semaphore, #tpu.memory_space<semaphore_mem>>) src(%arg10 : memref<128x128xf32, #tpu.memory_space<vmem>>) dst(%dma_wait3A_56 : memref<128x128xf32, #tpu.memory_space<hbm>>)
      tpu.yield
    }) : () -> ()
    %dma_start3A_18 = arith.constant 0 : i32
    %dma_start3A_19 = tpu.memref_slice %arg9[%dma_start3A_18] : memref<256xi32, #tpu.memory_space<vmem>> -> memref<128xi32, #tpu.memory_space<vmem>>
    %dma_start3A_20 = arith.constant 0 : i32
    %dma_start3A_21 = arith.constant 0 : i32
    %dma_start3A_22 = tpu.memref_slice %arg3[%dma_start3A_20, %dma_start3A_21] : memref<100000x128xf32, #tpu.memory_space<hbm>> -> memref<100000x128xf32, #tpu.memory_space<hbm>>
    tpu.enqueue_indirect_dma source(%dma_start3A_22 : memref<100000x128xf32, #tpu.memory_space<hbm>>) target(%arg10 : memref<128x128xf32, #tpu.memory_space<vmem>>) offsets(%dma_start3A_19 : memref<128xi32, #tpu.memory_space<vmem>>) semaphore(%arg12 : memref<!tpu.dma_semaphore, #tpu.memory_space<semaphore_mem>>)
    %dma_wait3A_23 = arith.constant 128 : i32
    %dma_wait3A_24 = tpu.memref_slice %arg8[%dma_wait3A_23] : memref<256xi32, #tpu.memory_space<vmem>> -> memref<128xi32, #tpu.memory_space<vmem>>
    %dma_wait3A_25 = arith.constant 0 : i32
    %dma_wait3A_26 = arith.constant 0 : i32
    %dma_wait3A_27 = tpu.memref_slice %arg2[%dma_wait3A_25, %dma_wait3A_26] : memref<100000x128xf32, #tpu.memory_space<hbm>> -> memref<100000x128xf32, #tpu.memory_space<hbm>>
    tpu.wait_indirect_dma semaphore(%arg13 : memref<!tpu.dma_semaphore, #tpu.memory_space<semaphore_mem>>) src(%dma_wait3A_27 : memref<100000x128xf32, #tpu.memory_space<hbm>>) dst(%arg11 : memref<128x128xf32, #tpu.memory_space<vmem>>)
    %add3A_28 = arith.constant 128 : i32
    %add3A_29 = arith.addi %mul3A_2, %add3A_28 : i32
    "tpu.region"() ({
      %run_scoped3A = tpu.sem_alloc : memref<!tpu.dma_semaphore, #tpu.memory_space<semaphore_mem>>
      %dma_start3A_49 = arith.constant 0 : i32
      %dma_start3A_50 = tpu.memref_slice %arg6[%add3A_29, %dma_start3A_49] : memref<8192x128xf32, #tpu.memory_space<hbm>> -> memref<128x128xf32, #tpu.memory_space<hbm>>
      %dma_start3A_51 = arith.constant 0 : i32
      %dma_start3A_52 = tpu.memref_slice %arg6[%add3A_29, %dma_start3A_51] : memref<8192x128xf32, #tpu.memory_space<hbm>> -> memref<128x128xf32, #tpu.memory_space<hbm>>
      tpu.enqueue_dma source(%arg11 : memref<128x128xf32, #tpu.memory_space<vmem>>) target(%dma_start3A_52 : memref<128x128xf32, #tpu.memory_space<hbm>>) target_semaphore(%run_scoped3A : memref<!tpu.dma_semaphore, #tpu.memory_space<semaphore_mem>>)
      %dma_wait3A_53 = arith.constant 0 : i32
      %dma_wait3A_54 = tpu.memref_slice %arg6[%add3A_29, %dma_wait3A_53] : memref<8192x128xf32, #tpu.memory_space<hbm>> -> memref<128x128xf32, #tpu.memory_space<hbm>>
      %dma_wait3A_55 = arith.constant 0 : i32
      %dma_wait3A_56 = tpu.memref_slice %arg6[%add3A_29, %dma_wait3A_55] : memref<8192x128xf32, #tpu.memory_space<hbm>> -> memref<128x128xf32, #tpu.memory_space<hbm>>
      tpu.wait_dma2 semaphore(%run_scoped3A : memref<!tpu.dma_semaphore, #tpu.memory_space<semaphore_mem>>) src(%arg11 : memref<128x128xf32, #tpu.memory_space<vmem>>) dst(%dma_wait3A_56 : memref<128x128xf32, #tpu.memory_space<hbm>>)
      tpu.yield
    }) : () -> ()
    %dma_start3A_30 = arith.constant 128 : i32
    %dma_start3A_31 = tpu.memref_slice %arg9[%dma_start3A_30] : memref<256xi32, #tpu.memory_space<vmem>> -> memref<128xi32, #tpu.memory_space<vmem>>
    %dma_start3A_32 = arith.constant 0 : i32
    %dma_start3A_33 = arith.constant 0 : i32
    %dma_start3A_34 = tpu.memref_slice %arg3[%dma_start3A_32, %dma_start3A_33] : memref<100000x128xf32, #tpu.memory_space<hbm>> -> memref<100000x128xf32, #tpu.memory_space<hbm>>
    tpu.enqueue_indirect_dma source(%dma_start3A_34 : memref<100000x128xf32, #tpu.memory_space<hbm>>) target(%arg11 : memref<128x128xf32, #tpu.memory_space<vmem>>) offsets(%dma_start3A_31 : memref<128xi32, #tpu.memory_space<vmem>>) semaphore(%arg13 : memref<!tpu.dma_semaphore, #tpu.memory_space<semaphore_mem>>)
    %dma_wait3A_35 = arith.constant 0 : i32
    %dma_wait3A_36 = tpu.memref_slice %arg9[%dma_wait3A_35] : memref<256xi32, #tpu.memory_space<vmem>> -> memref<128xi32, #tpu.memory_space<vmem>>
    %dma_wait3A_37 = arith.constant 0 : i32
    %dma_wait3A_38 = arith.constant 0 : i32
    %dma_wait3A_39 = tpu.memref_slice %arg3[%dma_wait3A_37, %dma_wait3A_38] : memref<100000x128xf32, #tpu.memory_space<hbm>> -> memref<100000x128xf32, #tpu.memory_space<hbm>>
    tpu.wait_indirect_dma semaphore(%arg12 : memref<!tpu.dma_semaphore, #tpu.memory_space<semaphore_mem>>) src(%dma_wait3A_39 : memref<100000x128xf32, #tpu.memory_space<hbm>>) dst(%arg10 : memref<128x128xf32, #tpu.memory_space<vmem>>)
    %add3A_40 = arith.constant 0 : i32
    %add3A_41 = arith.addi %mul3A_2, %add3A_40 : i32
    "tpu.region"() ({
      %run_scoped3A = tpu.sem_alloc : memref<!tpu.dma_semaphore, #tpu.memory_space<semaphore_mem>>
      %dma_start3A_49 = arith.constant 0 : i32
      %dma_start3A_50 = tpu.memref_slice %arg7[%add3A_41, %dma_start3A_49] : memref<8192x128xf32, #tpu.memory_space<hbm>> -> memref<128x128xf32, #tpu.memory_space<hbm>>
      %dma_start3A_51 = arith.constant 0 : i32
      %dma_start3A_52 = tpu.memref_slice %arg7[%add3A_41, %dma_start3A_51] : memref<8192x128xf32, #tpu.memory_space<hbm>> -> memref<128x128xf32, #tpu.memory_space<hbm>>
      tpu.enqueue_dma source(%arg10 : memref<128x128xf32, #tpu.memory_space<vmem>>) target(%dma_start3A_52 : memref<128x128xf32, #tpu.memory_space<hbm>>) target_semaphore(%run_scoped3A : memref<!tpu.dma_semaphore, #tpu.memory_space<semaphore_mem>>)
      %dma_wait3A_53 = arith.constant 0 : i32
      %dma_wait3A_54 = tpu.memref_slice %arg7[%add3A_41, %dma_wait3A_53] : memref<8192x128xf32, #tpu.memory_space<hbm>> -> memref<128x128xf32, #tpu.memory_space<hbm>>
      %dma_wait3A_55 = arith.constant 0 : i32
      %dma_wait3A_56 = tpu.memref_slice %arg7[%add3A_41, %dma_wait3A_55] : memref<8192x128xf32, #tpu.memory_space<hbm>> -> memref<128x128xf32, #tpu.memory_space<hbm>>
      tpu.wait_dma2 semaphore(%run_scoped3A : memref<!tpu.dma_semaphore, #tpu.memory_space<semaphore_mem>>) src(%arg10 : memref<128x128xf32, #tpu.memory_space<vmem>>) dst(%dma_wait3A_56 : memref<128x128xf32, #tpu.memory_space<hbm>>)
      tpu.yield
    }) : () -> ()
    %dma_wait3A_42 = arith.constant 128 : i32
    %dma_wait3A_43 = tpu.memref_slice %arg9[%dma_wait3A_42] : memref<256xi32, #tpu.memory_space<vmem>> -> memref<128xi32, #tpu.memory_space<vmem>>
    %dma_wait3A_44 = arith.constant 0 : i32
    %dma_wait3A_45 = arith.constant 0 : i32
    %dma_wait3A_46 = tpu.memref_slice %arg3[%dma_wait3A_44, %dma_wait3A_45] : memref<100000x128xf32, #tpu.memory_space<hbm>> -> memref<100000x128xf32, #tpu.memory_space<hbm>>
    tpu.wait_indirect_dma semaphore(%arg13 : memref<!tpu.dma_semaphore, #tpu.memory_space<semaphore_mem>>) src(%dma_wait3A_46 : memref<100000x128xf32, #tpu.memory_space<hbm>>) dst(%arg11 : memref<128x128xf32, #tpu.memory_space<vmem>>)
    %add3A_47 = arith.constant 128 : i32
    %add3A_48 = arith.addi %mul3A_2, %add3A_47 : i32
    "tpu.region"() ({
      %run_scoped3A = tpu.sem_alloc : memref<!tpu.dma_semaphore, #tpu.memory_space<semaphore_mem>>
      %dma_start3A_49 = arith.constant 0 : i32
      %dma_start3A_50 = tpu.memref_slice %arg7[%add3A_48, %dma_start3A_49] : memref<8192x128xf32, #tpu.memory_space<hbm>> -> memref<128x128xf32, #tpu.memory_space<hbm>>
      %dma_start3A_51 = arith.constant 0 : i32
      %dma_start3A_52 = tpu.memref_slice %arg7[%add3A_48, %dma_start3A_51] : memref<8192x128xf32, #tpu.memory_space<hbm>> -> memref<128x128xf32, #tpu.memory_space<hbm>>
      tpu.enqueue_dma source(%arg11 : memref<128x128xf32, #tpu.memory_space<vmem>>) target(%dma_start3A_52 : memref<128x128xf32, #tpu.memory_space<hbm>>) target_semaphore(%run_scoped3A : memref<!tpu.dma_semaphore, #tpu.memory_space<semaphore_mem>>)
      %dma_wait3A_53 = arith.constant 0 : i32
      %dma_wait3A_54 = tpu.memref_slice %arg7[%add3A_48, %dma_wait3A_53] : memref<8192x128xf32, #tpu.memory_space<hbm>> -> memref<128x128xf32, #tpu.memory_space<hbm>>
      %dma_wait3A_55 = arith.constant 0 : i32
      %dma_wait3A_56 = tpu.memref_slice %arg7[%add3A_48, %dma_wait3A_55] : memref<8192x128xf32, #tpu.memory_space<hbm>> -> memref<128x128xf32, #tpu.memory_space<hbm>>
      tpu.wait_dma2 semaphore(%run_scoped3A : memref<!tpu.dma_semaphore, #tpu.memory_space<semaphore_mem>>) src(%arg11 : memref<128x128xf32, #tpu.memory_space<vmem>>) dst(%dma_wait3A_56 : memref<128x128xf32, #tpu.memory_space<hbm>>)
      tpu.yield
    }) : () -> ()
    return
  }
}

#map = affine_map<(d0, d1) -> (0, 0)>
#map1 = affine_map<(d0, d1) -> (0)>
module attributes {stable_mosaic.version = 14 : i64} {
  func.func @_sc_gather(%arg0: i32, %arg1: i32, %arg2: memref<100000x128xf32, #tpu.memory_space<hbm>>, %arg3: memref<100000x128xf32, #tpu.memory_space<hbm>>, %arg4: memref<8192xi32, #tpu.memory_space<hbm>>, %arg5: memref<8192xi32, #tpu.memory_space<hbm>>, %arg6: memref<8192x128xf32, #tpu.memory_space<hbm>>, %arg7: memref<8192x128xf32, #tpu.memory_space<hbm>>, %arg8: memref<256xi32, #tpu.memory_space<vmem>>, %arg9: memref<256xi32, #tpu.memory_space<vmem>>, %arg10: memref<128x128xf32, #tpu.memory_space<vmem>>, %arg11: memref<128x128xf32, #tpu.memory_space<vmem>>, %arg12: memref<!tpu.dma_semaphore, #tpu.memory_space<semaphore_mem>>, %arg13: memref<!tpu.dma_semaphore, #tpu.memory_space<semaphore_mem>>) attributes {dimension_semantics = [#tpu.dimension_semantics<core_parallel>, #tpu.dimension_semantics<subcore_parallel>], iteration_bounds = array<i64: 2, 16>, scalar_prefetch = 0 : i64, scratch_operands = 6 : i64, tpu.core_type = #tpu.core_type<sc_vector_subcore>, window_params = [{transform_indices = #map}, {transform_indices = #map}, {transform_indices = #map1}, {transform_indices = #map1}, {transform_indices = #map}, {transform_indices = #map}]} {
    %mul3A = arith.constant 2 : i32
    %mul3A_0 = arith.muli %arg1, %mul3A : i32
    %add3A = arith.addi %mul3A_0, %arg0 : i32
    %mul3A_1 = arith.constant 256 : i32
    %mul3A_2 = arith.muli %add3A, %mul3A_1 : i32
    "tpu.region"() ({
      %run_scoped3A = tpu.sem_alloc : memref<!tpu.dma_semaphore, #tpu.memory_space<semaphore_mem>>
      %dma_start3A_49 = tpu.memref_slice %arg4[%mul3A_2] : memref<8192xi32, #tpu.memory_space<hbm>> -> memref<256xi32, #tpu.memory_space<hbm>>
      %dma_start3A_50 = tpu.memref_slice %arg4[%mul3A_2] : memref<8192xi32, #tpu.memory_space<hbm>> -> memref<256xi32, #tpu.memory_space<hbm>>
      tpu.enqueue_dma source(%dma_start3A_50 : memref<256xi32, #tpu.memory_space<hbm>>) target(%arg8 : memref<256xi32, #tpu.memory_space<vmem>>) target_semaphore(%run_scoped3A : memref<!tpu.dma_semaphore, #tpu.memory_space<semaphore_mem>>)
      %dma_wait3A_51 = tpu.memref_slice %arg4[%mul3A_2] : memref<8192xi32, #tpu.memory_space<hbm>> -> memref<256xi32, #tpu.memory_space<hbm>>
      %dma_wait3A_52 = tpu.memref_slice %arg4[%mul3A_2] : memref<8192xi32, #tpu.memory_space<hbm>> -> memref<256xi32, #tpu.memory_space<hbm>>
      tpu.wait_dma2 semaphore(%run_scoped3A : memref<!tpu.dma_semaphore, #tpu.memory_space<semaphore_mem>>) src(%dma_wait3A_52 : memref<256xi32, #tpu.memory_space<hbm>>) dst(%arg8 : memref<256xi32, #tpu.memory_space<vmem>>)
      tpu.yield
    }) : () -> ()
    "tpu.region"() ({
      %run_scoped3A = tpu.sem_alloc : memref<!tpu.dma_semaphore, #tpu.memory_space<semaphore_mem>>
      %dma_start3A_49 = tpu.memref_slice %arg5[%mul3A_2] : memref<8192xi32, #tpu.memory_space<hbm>> -> memref<256xi32, #tpu.memory_space<hbm>>
      %dma_start3A_50 = tpu.memref_slice %arg5[%mul3A_2] : memref<8192xi32, #tpu.memory_space<hbm>> -> memref<256xi32, #tpu.memory_space<hbm>>
      tpu.enqueue_dma source(%dma_start3A_50 : memref<256xi32, #tpu.memory_space<hbm>>) target(%arg9 : memref<256xi32, #tpu.memory_space<vmem>>) target_semaphore(%run_scoped3A : memref<!tpu.dma_semaphore, #tpu.memory_space<semaphore_mem>>)
      %dma_wait3A_51 = tpu.memref_slice %arg5[%mul3A_2] : memref<8192xi32, #tpu.memory_space<hbm>> -> memref<256xi32, #tpu.memory_space<hbm>>
      %dma_wait3A_52 = tpu.memref_slice %arg5[%mul3A_2] : memref<8192xi32, #tpu.memory_space<hbm>> -> memref<256xi32, #tpu.memory_space<hbm>>
      tpu.wait_dma2 semaphore(%run_scoped3A : memref<!tpu.dma_semaphore, #tpu.memory_space<semaphore_mem>>) src(%dma_wait3A_52 : memref<256xi32, #tpu.memory_space<hbm>>) dst(%arg9 : memref<256xi32, #tpu.memory_space<vmem>>)
      tpu.yield
    }) : () -> ()
    %dma_start3A = arith.constant 0 : i32
    %dma_start3A_3 = tpu.memref_slice %arg8[%dma_start3A] : memref<256xi32, #tpu.memory_space<vmem>> -> memref<128xi32, #tpu.memory_space<vmem>>
    %dma_start3A_4 = arith.constant 0 : i32
    %dma_start3A_5 = arith.constant 0 : i32
    %dma_start3A_6 = tpu.memref_slice %arg2[%dma_start3A_4, %dma_start3A_5] : memref<100000x128xf32, #tpu.memory_space<hbm>> -> memref<100000x128xf32, #tpu.memory_space<hbm>>
    tpu.enqueue_indirect_dma source(%dma_start3A_6 : memref<100000x128xf32, #tpu.memory_space<hbm>>) target(%arg10 : memref<128x128xf32, #tpu.memory_space<vmem>>) offsets(%dma_start3A_3 : memref<128xi32, #tpu.memory_space<vmem>>) semaphore(%arg12 : memref<!tpu.dma_semaphore, #tpu.memory_space<semaphore_mem>>)
    %dma_start3A_7 = arith.constant 128 : i32
    %dma_start3A_8 = tpu.memref_slice %arg8[%dma_start3A_7] : memref<256xi32, #tpu.memory_space<vmem>> -> memref<128xi32, #tpu.memory_space<vmem>>
    %dma_start3A_9 = arith.constant 0 : i32
    %dma_start3A_10 = arith.constant 0 : i32
    %dma_start3A_11 = tpu.memref_slice %arg2[%dma_start3A_9, %dma_start3A_10] : memref<100000x128xf32, #tpu.memory_space<hbm>> -> memref<100000x128xf32, #tpu.memory_space<hbm>>
    tpu.enqueue_indirect_dma source(%dma_start3A_11 : memref<100000x128xf32, #tpu.memory_space<hbm>>) target(%arg11 : memref<128x128xf32, #tpu.memory_space<vmem>>) offsets(%dma_start3A_8 : memref<128xi32, #tpu.memory_space<vmem>>) semaphore(%arg13 : memref<!tpu.dma_semaphore, #tpu.memory_space<semaphore_mem>>)
    %dma_wait3A = arith.constant 0 : i32
    %dma_wait3A_12 = tpu.memref_slice %arg8[%dma_wait3A] : memref<256xi32, #tpu.memory_space<vmem>> -> memref<128xi32, #tpu.memory_space<vmem>>
    %dma_wait3A_13 = arith.constant 0 : i32
    %dma_wait3A_14 = arith.constant 0 : i32
    %dma_wait3A_15 = tpu.memref_slice %arg2[%dma_wait3A_13, %dma_wait3A_14] : memref<100000x128xf32, #tpu.memory_space<hbm>> -> memref<100000x128xf32, #tpu.memory_space<hbm>>
    tpu.wait_indirect_dma semaphore(%arg12 : memref<!tpu.dma_semaphore, #tpu.memory_space<semaphore_mem>>) src(%dma_wait3A_15 : memref<100000x128xf32, #tpu.memory_space<hbm>>) dst(%arg10 : memref<128x128xf32, #tpu.memory_space<vmem>>)
    %add3A_16 = arith.constant 0 : i32
    %add3A_17 = arith.addi %mul3A_2, %add3A_16 : i32
    "tpu.region"() ({
      %run_scoped3A = tpu.sem_alloc : memref<!tpu.dma_semaphore, #tpu.memory_space<semaphore_mem>>
      %dma_start3A_49 = arith.constant 0 : i32
      %dma_start3A_50 = tpu.memref_slice %arg6[%add3A_17, %dma_start3A_49] : memref<8192x128xf32, #tpu.memory_space<hbm>> -> memref<128x128xf32, #tpu.memory_space<hbm>>
      %dma_start3A_51 = arith.constant 0 : i32
      %dma_start3A_52 = tpu.memref_slice %arg6[%add3A_17, %dma_start3A_51] : memref<8192x128xf32, #tpu.memory_space<hbm>> -> memref<128x128xf32, #tpu.memory_space<hbm>>
      tpu.enqueue_dma source(%arg10 : memref<128x128xf32, #tpu.memory_space<vmem>>) target(%dma_start3A_52 : memref<128x128xf32, #tpu.memory_space<hbm>>) target_semaphore(%run_scoped3A : memref<!tpu.dma_semaphore, #tpu.memory_space<semaphore_mem>>)
      %dma_wait3A_53 = arith.constant 0 : i32
      %dma_wait3A_54 = tpu.memref_slice %arg6[%add3A_17, %dma_wait3A_53] : memref<8192x128xf32, #tpu.memory_space<hbm>> -> memref<128x128xf32, #tpu.memory_space<hbm>>
      %dma_wait3A_55 = arith.constant 0 : i32
      %dma_wait3A_56 = tpu.memref_slice %arg6[%add3A_17, %dma_wait3A_55] : memref<8192x128xf32, #tpu.memory_space<hbm>> -> memref<128x128xf32, #tpu.memory_space<hbm>>
      tpu.wait_dma2 semaphore(%run_scoped3A : memref<!tpu.dma_semaphore, #tpu.memory_space<semaphore_mem>>) src(%arg10 : memref<128x128xf32, #tpu.memory_space<vmem>>) dst(%dma_wait3A_56 : memref<128x128xf32, #tpu.memory_space<hbm>>)
      tpu.yield
    }) : () -> ()
    %dma_start3A_18 = arith.constant 0 : i32
    %dma_start3A_19 = tpu.memref_slice %arg9[%dma_start3A_18] : memref<256xi32, #tpu.memory_space<vmem>> -> memref<128xi32, #tpu.memory_space<vmem>>
    %dma_start3A_20 = arith.constant 0 : i32
    %dma_start3A_21 = arith.constant 0 : i32
    %dma_start3A_22 = tpu.memref_slice %arg3[%dma_start3A_20, %dma_start3A_21] : memref<100000x128xf32, #tpu.memory_space<hbm>> -> memref<100000x128xf32, #tpu.memory_space<hbm>>
    tpu.enqueue_indirect_dma source(%dma_start3A_22 : memref<100000x128xf32, #tpu.memory_space<hbm>>) target(%arg10 : memref<128x128xf32, #tpu.memory_space<vmem>>) offsets(%dma_start3A_19 : memref<128xi32, #tpu.memory_space<vmem>>) semaphore(%arg12 : memref<!tpu.dma_semaphore, #tpu.memory_space<semaphore_mem>>)
    %dma_wait3A_23 = arith.constant 128 : i32
    %dma_wait3A_24 = tpu.memref_slice %arg8[%dma_wait3A_23] : memref<256xi32, #tpu.memory_space<vmem>> -> memref<128xi32, #tpu.memory_space<vmem>>
    %dma_wait3A_25 = arith.constant 0 : i32
    %dma_wait3A_26 = arith.constant 0 : i32
    %dma_wait3A_27 = tpu.memref_slice %arg2[%dma_wait3A_25, %dma_wait3A_26] : memref<100000x128xf32, #tpu.memory_space<hbm>> -> memref<100000x128xf32, #tpu.memory_space<hbm>>
    tpu.wait_indirect_dma semaphore(%arg13 : memref<!tpu.dma_semaphore, #tpu.memory_space<semaphore_mem>>) src(%dma_wait3A_27 : memref<100000x128xf32, #tpu.memory_space<hbm>>) dst(%arg11 : memref<128x128xf32, #tpu.memory_space<vmem>>)
    %add3A_28 = arith.constant 128 : i32
    %add3A_29 = arith.addi %mul3A_2, %add3A_28 : i32
    "tpu.region"() ({
      %run_scoped3A = tpu.sem_alloc : memref<!tpu.dma_semaphore, #tpu.memory_space<semaphore_mem>>
      %dma_start3A_49 = arith.constant 0 : i32
      %dma_start3A_50 = tpu.memref_slice %arg6[%add3A_29, %dma_start3A_49] : memref<8192x128xf32, #tpu.memory_space<hbm>> -> memref<128x128xf32, #tpu.memory_space<hbm>>
      %dma_start3A_51 = arith.constant 0 : i32
      %dma_start3A_52 = tpu.memref_slice %arg6[%add3A_29, %dma_start3A_51] : memref<8192x128xf32, #tpu.memory_space<hbm>> -> memref<128x128xf32, #tpu.memory_space<hbm>>
      tpu.enqueue_dma source(%arg11 : memref<128x128xf32, #tpu.memory_space<vmem>>) target(%dma_start3A_52 : memref<128x128xf32, #tpu.memory_space<hbm>>) target_semaphore(%run_scoped3A : memref<!tpu.dma_semaphore, #tpu.memory_space<semaphore_mem>>)
      %dma_wait3A_53 = arith.constant 0 : i32
      %dma_wait3A_54 = tpu.memref_slice %arg6[%add3A_29, %dma_wait3A_53] : memref<8192x128xf32, #tpu.memory_space<hbm>> -> memref<128x128xf32, #tpu.memory_space<hbm>>
      %dma_wait3A_55 = arith.constant 0 : i32
      %dma_wait3A_56 = tpu.memref_slice %arg6[%add3A_29, %dma_wait3A_55] : memref<8192x128xf32, #tpu.memory_space<hbm>> -> memref<128x128xf32, #tpu.memory_space<hbm>>
      tpu.wait_dma2 semaphore(%run_scoped3A : memref<!tpu.dma_semaphore, #tpu.memory_space<semaphore_mem>>) src(%arg11 : memref<128x128xf32, #tpu.memory_space<vmem>>) dst(%dma_wait3A_56 : memref<128x128xf32, #tpu.memory_space<hbm>>)
      tpu.yield
    }) : () -> ()
    %dma_start3A_30 = arith.constant 128 : i32
    %dma_start3A_31 = tpu.memref_slice %arg9[%dma_start3A_30] : memref<256xi32, #tpu.memory_space<vmem>> -> memref<128xi32, #tpu.memory_space<vmem>>
    %dma_start3A_32 = arith.constant 0 : i32
    %dma_start3A_33 = arith.constant 0 : i32
    %dma_start3A_34 = tpu.memref_slice %arg3[%dma_start3A_32, %dma_start3A_33] : memref<100000x128xf32, #tpu.memory_space<hbm>> -> memref<100000x128xf32, #tpu.memory_space<hbm>>
    tpu.enqueue_indirect_dma source(%dma_start3A_34 : memref<100000x128xf32, #tpu.memory_space<hbm>>) target(%arg11 : memref<128x128xf32, #tpu.memory_space<vmem>>) offsets(%dma_start3A_31 : memref<128xi32, #tpu.memory_space<vmem>>) semaphore(%arg13 : memref<!tpu.dma_semaphore, #tpu.memory_space<semaphore_mem>>)
    %dma_wait3A_35 = arith.constant 0 : i32
    %dma_wait3A_36 = tpu.memref_slice %arg9[%dma_wait3A_35] : memref<256xi32, #tpu.memory_space<vmem>> -> memref<128xi32, #tpu.memory_space<vmem>>
    %dma_wait3A_37 = arith.constant 0 : i32
    %dma_wait3A_38 = arith.constant 0 : i32
    %dma_wait3A_39 = tpu.memref_slice %arg3[%dma_wait3A_37, %dma_wait3A_38] : memref<100000x128xf32, #tpu.memory_space<hbm>> -> memref<100000x128xf32, #tpu.memory_space<hbm>>
    tpu.wait_indirect_dma semaphore(%arg12 : memref<!tpu.dma_semaphore, #tpu.memory_space<semaphore_mem>>) src(%dma_wait3A_39 : memref<100000x128xf32, #tpu.memory_space<hbm>>) dst(%arg10 : memref<128x128xf32, #tpu.memory_space<vmem>>)
    %add3A_40 = arith.constant 0 : i32
    %add3A_41 = arith.addi %mul3A_2, %add3A_40 : i32
    "tpu.region"() ({
      %run_scoped3A = tpu.sem_alloc : memref<!tpu.dma_semaphore, #tpu.memory_space<semaphore_mem>>
      %dma_start3A_49 = arith.constant 0 : i32
      %dma_start3A_50 = tpu.memref_slice %arg7[%add3A_41, %dma_start3A_49] : memref<8192x128xf32, #tpu.memory_space<hbm>> -> memref<128x128xf32, #tpu.memory_space<hbm>>
      %dma_start3A_51 = arith.constant 0 : i32
      %dma_start3A_52 = tpu.memref_slice %arg7[%add3A_41, %dma_start3A_51] : memref<8192x128xf32, #tpu.memory_space<hbm>> -> memref<128x128xf32, #tpu.memory_space<hbm>>
      tpu.enqueue_dma source(%arg10 : memref<128x128xf32, #tpu.memory_space<vmem>>) target(%dma_start3A_52 : memref<128x128xf32, #tpu.memory_space<hbm>>) target_semaphore(%run_scoped3A : memref<!tpu.dma_semaphore, #tpu.memory_space<semaphore_mem>>)
      %dma_wait3A_53 = arith.constant 0 : i32
      %dma_wait3A_54 = tpu.memref_slice %arg7[%add3A_41, %dma_wait3A_53] : memref<8192x128xf32, #tpu.memory_space<hbm>> -> memref<128x128xf32, #tpu.memory_space<hbm>>
      %dma_wait3A_55 = arith.constant 0 : i32
      %dma_wait3A_56 = tpu.memref_slice %arg7[%add3A_41, %dma_wait3A_55] : memref<8192x128xf32, #tpu.memory_space<hbm>> -> memref<128x128xf32, #tpu.memory_space<hbm>>
      tpu.wait_dma2 semaphore(%run_scoped3A : memref<!tpu.dma_semaphore, #tpu.memory_space<semaphore_mem>>) src(%arg10 : memref<128x128xf32, #tpu.memory_space<vmem>>) dst(%dma_wait3A_56 : memref<128x128xf32, #tpu.memory_space<hbm>>)
      tpu.yield
    }) : () -> ()
    %dma_wait3A_42 = arith.constant 128 : i32
    %dma_wait3A_43 = tpu.memref_slice %arg9[%dma_wait3A_42] : memref<256xi32, #tpu.memory_space<vmem>> -> memref<128xi32, #tpu.memory_space<vmem>>
    %dma_wait3A_44 = arith.constant 0 : i32
    %dma_wait3A_45 = arith.constant 0 : i32
    %dma_wait3A_46 = tpu.memref_slice %arg3[%dma_wait3A_44, %dma_wait3A_45] : memref<100000x128xf32, #tpu.memory_space<hbm>> -> memref<100000x128xf32, #tpu.memory_space<hbm>>
    tpu.wait_indirect_dma semaphore(%arg13 : memref<!tpu.dma_semaphore, #tpu.memory_space<semaphore_mem>>) src(%dma_wait3A_46 : memref<100000x128xf32, #tpu.memory_space<hbm>>) dst(%arg11 : memref<128x128xf32, #tpu.memory_space<vmem>>)
    %add3A_47 = arith.constant 128 : i32
    %add3A_48 = arith.addi %mul3A_2, %add3A_47 : i32
    "tpu.region"() ({
      %run_scoped3A = tpu.sem_alloc : memref<!tpu.dma_semaphore, #tpu.memory_space<semaphore_mem>>
      %dma_start3A_49 = arith.constant 0 : i32
      %dma_start3A_50 = tpu.memref_slice %arg7[%add3A_48, %dma_start3A_49] : memref<8192x128xf32, #tpu.memory_space<hbm>> -> memref<128x128xf32, #tpu.memory_space<hbm>>
      %dma_start3A_51 = arith.constant 0 : i32
      %dma_start3A_52 = tpu.memref_slice %arg7[%add3A_48, %dma_start3A_51] : memref<8192x128xf32, #tpu.memory_space<hbm>> -> memref<128x128xf32, #tpu.memory_space<hbm>>
      tpu.enqueue_dma source(%arg11 : memref<128x128xf32, #tpu.memory_space<vmem>>) target(%dma_start3A_52 : memref<128x128xf32, #tpu.memory_space<hbm>>) target_semaphore(%run_scoped3A : memref<!tpu.dma_semaphore, #tpu.memory_space<semaphore_mem>>)
      %dma_wait3A_53 = arith.constant 0 : i32
      %dma_wait3A_54 = tpu.memref_slice %arg7[%add3A_48, %dma_wait3A_53] : memref<8192x128xf32, #tpu.memory_space<hbm>> -> memref<128x128xf32, #tpu.memory_space<hbm>>
      %dma_wait3A_55 = arith.constant 0 : i32
      %dma_wait3A_56 = tpu.memref_slice %arg7[%add3A_48, %dma_wait3A_55] : memref<8192x128xf32, #tpu.memory_space<hbm>> -> memref<128x128xf32, #tpu.memory_space<hbm>>
      tpu.wait_dma2 semaphore(%run_scoped3A : memref<!tpu.dma_semaphore, #tpu.memory_space<semaphore_mem>>) src(%arg11 : memref<128x128xf32, #tpu.memory_space<vmem>>) dst(%dma_wait3A_56 : memref<128x128xf32, #tpu.memory_space<hbm>>)
      tpu.yield
    }) : () -> ()
    return
  }
}

module attributes {stable_mosaic.version = 14 : i64} {
  func.func @_mlp_alias_body(%arg0: i32, %arg1: memref<2048x128xf32, #tpu.memory_space<vmem>>, %arg2: memref<2048x128xf32, #tpu.memory_space<vmem>>, %arg3: memref<128x512xbf16, #tpu.memory_space<vmem>>, %arg4: memref<1x512xbf16, #tpu.memory_space<vmem>>, %arg5: memref<512x128xbf16, #tpu.memory_space<vmem>>, %arg6: memref<1x128xf32, #tpu.memory_space<vmem>>, %arg7: memref<16384x128xf32, #tpu.memory_space<any>>, %arg8: memref<16384x128xf32, #tpu.memory_space<any>>, %arg9: memref<2048x128xf32, #tpu.memory_space<vmem>>, %arg10: memref<2048x128xf32, #tpu.memory_space<vmem>>) attributes {dimension_semantics = [#tpu.dimension_semantics<arbitrary>], iteration_bounds = array<i64: 4>, scalar_prefetch = 0 : i64, scratch_operands = 0 : i64, tpu.core_type = #tpu.core_type<tc>, window_params = [{transform_indices = @transform_0, window_bounds = array<i64: 2048, 128>}, {transform_indices = @transform_1, window_bounds = array<i64: 2048, 128>}, {pipeline_mode = #tpu.pipeline_mode<synchronous>, transform_indices = @transform_2, window_bounds = array<i64: 128, 512>}, {pipeline_mode = #tpu.pipeline_mode<synchronous>, transform_indices = @transform_3, window_bounds = array<i64: 1, 512>}, {pipeline_mode = #tpu.pipeline_mode<synchronous>, transform_indices = @transform_4, window_bounds = array<i64: 512, 128>}, {pipeline_mode = #tpu.pipeline_mode<synchronous>, transform_indices = @transform_5, window_bounds = array<i64: 1, 128>}, {}, {}, {transform_indices = @transform_8, window_bounds = array<i64: 2048, 128>}, {transform_indices = @transform_9, window_bounds = array<i64: 2048, 128>}]} {
    %get3A = arith.constant 0 : index
    %get3A_0 = arith.constant 0 : index
    %get3A_1 = vector.load %arg3[%get3A, %get3A_0] : memref<128x512xbf16, #tpu.memory_space<vmem>>, vector<128x512xbf16>
    %get3A_2 = arith.constant 0 : index
    %get3A_3 = arith.constant 0 : index
    %get3A_4 = vector.load %arg5[%get3A_2, %get3A_3] : memref<512x128xbf16, #tpu.memory_space<vmem>>, vector<512x128xbf16>
    %get3A_5 = arith.constant 0 : index
    %get3A_6 = arith.constant 0 : index
    %get3A_7 = vector.load %arg4[%get3A_5, %get3A_6] : memref<1x512xbf16, #tpu.memory_space<vmem>>, vector<1x512xbf16>
    %get3A_8 = arith.constant 0 : index
    %get3A_9 = arith.constant 0 : index
    %get3A_10 = vector.load %arg6[%get3A_8, %get3A_9] : memref<1x128xf32, #tpu.memory_space<vmem>>, vector<1x128xf32>
    %get3A_11 = arith.constant 0 : index
    %get3A_12 = arith.constant 0 : index
    %get3A_13 = vector.load %arg1[%get3A_11, %get3A_12] : memref<2048x128xf32, #tpu.memory_space<vmem>>, vector<2048x128xf32>
    %convert_element_type3A = arith.truncf %get3A_13 : vector<2048x128xf32> to vector<2048x128xbf16>
    %dot_general3A = arith.constant dense<0.000000e+00> : vector<2048x512xf32>
    %dot_general3A_14 = tpu.matmul %convert_element_type3A, %get3A_1, %dot_general3A {dimension_numbers = #tpu.dot_dimension_numbers<[1], [0], [0], [1], [0, 0, 1, 1], [], []>, transpose_lhs_hint = false} : vector<2048x128xbf16>, vector<128x512xbf16>, vector<2048x512xf32> -> vector<2048x512xf32>
    %convert_element_type3A_15 = arith.truncf %dot_general3A_14 : vector<2048x512xf32> to vector<2048x512xbf16>
    %add3A = vector.broadcast %get3A_7 : vector<1x512xbf16> to vector<2048x512xbf16>
    %add3A_16 = arith.addf %convert_element_type3A_15, %add3A : vector<2048x512xbf16>
    %mul3A = arith.mulf %add3A_16, %add3A_16 : vector<2048x512xbf16>
    %mul3A_17 = arith.constant 3.564450e-02 : bf16
    %mul3A_18 = vector.broadcast %mul3A_17 : bf16 to vector<2048x512xbf16>
    %mul3A_19 = arith.mulf %mul3A_18, %mul3A : vector<2048x512xbf16>
    %add3A_20 = arith.constant 7.968750e-01 : bf16
    %add3A_21 = vector.broadcast %add3A_20 : bf16 to vector<2048x512xbf16>
    %add3A_22 = arith.addf %add3A_21, %mul3A_19 : vector<2048x512xbf16>
    %mul3A_23 = arith.mulf %add3A_16, %add3A_22 : vector<2048x512xbf16>
    %tanh3A = math.tanh %mul3A_23 : vector<2048x512xbf16>
    %add3A_24 = arith.constant 1.000000e+00 : bf16
    %add3A_25 = vector.broadcast %add3A_24 : bf16 to vector<2048x512xbf16>
    %add3A_26 = arith.addf %add3A_25, %tanh3A : vector<2048x512xbf16>
    %mul3A_27 = arith.mulf %add3A_16, %add3A_26 : vector<2048x512xbf16>
    %dot_general3A_28 = arith.constant dense<0.000000e+00> : vector<2048x128xf32>
    %dot_general3A_29 = tpu.matmul %mul3A_27, %get3A_4, %dot_general3A_28 {dimension_numbers = #tpu.dot_dimension_numbers<[1], [0], [0], [1], [0, 0, 1, 1], [], []>, transpose_lhs_hint = false} : vector<2048x512xbf16>, vector<512x128xbf16>, vector<2048x128xf32> -> vector<2048x128xf32>
    %add3A_30 = vector.broadcast %get3A_10 : vector<1x128xf32> to vector<2048x128xf32>
    %add3A_31 = arith.addf %dot_general3A_29, %add3A_30 : vector<2048x128xf32>
    %swap3A = arith.constant 0 : index
    %swap3A_32 = arith.constant 0 : index
    %swap3A_33 = vector.load %arg9[%swap3A, %swap3A_32] : memref<2048x128xf32, #tpu.memory_space<vmem>>, vector<2048x128xf32>
    tpu.vector_store %arg9[%swap3A, %swap3A_32], %add3A_31 {strides = array<i32>} : memref<2048x128xf32, #tpu.memory_space<vmem>>, vector<2048x128xf32>,
    %get3A_34 = arith.constant 0 : index
    %get3A_35 = arith.constant 0 : index
    %get3A_36 = vector.load %arg2[%get3A_34, %get3A_35] : memref<2048x128xf32, #tpu.memory_space<vmem>>, vector<2048x128xf32>
    %convert_element_type3A_37 = arith.truncf %get3A_36 : vector<2048x128xf32> to vector<2048x128xbf16>
    %dot_general3A_38 = arith.constant dense<0.000000e+00> : vector<2048x512xf32>
    %dot_general3A_39 = tpu.matmul %convert_element_type3A_37, %get3A_1, %dot_general3A_38 {dimension_numbers = #tpu.dot_dimension_numbers<[1], [0], [0], [1], [0, 0, 1, 1], [], []>, transpose_lhs_hint = false} : vector<2048x128xbf16>, vector<128x512xbf16>, vector<2048x512xf32> -> vector<2048x512xf32>
    %convert_element_type3A_40 = arith.truncf %dot_general3A_39 : vector<2048x512xf32> to vector<2048x512xbf16>
    %add3A_41 = vector.broadcast %get3A_7 : vector<1x512xbf16> to vector<2048x512xbf16>
    %add3A_42 = arith.addf %convert_element_type3A_40, %add3A_41 : vector<2048x512xbf16>
    %mul3A_43 = arith.mulf %add3A_42, %add3A_42 : vector<2048x512xbf16>
    %mul3A_44 = arith.constant 3.564450e-02 : bf16
    %mul3A_45 = vector.broadcast %mul3A_44 : bf16 to vector<2048x512xbf16>
    %mul3A_46 = arith.mulf %mul3A_45, %mul3A_43 : vector<2048x512xbf16>
    %add3A_47 = arith.constant 7.968750e-01 : bf16
    %add3A_48 = vector.broadcast %add3A_47 : bf16 to vector<2048x512xbf16>
    %add3A_49 = arith.addf %add3A_48, %mul3A_46 : vector<2048x512xbf16>
    %mul3A_50 = arith.mulf %add3A_42, %add3A_49 : vector<2048x512xbf16>
    %tanh3A_51 = math.tanh %mul3A_50 : vector<2048x512xbf16>
    %add3A_52 = arith.constant 1.000000e+00 : bf16
    %add3A_53 = vector.broadcast %add3A_52 : bf16 to vector<2048x512xbf16>
    %add3A_54 = arith.addf %add3A_53, %tanh3A_51 : vector<2048x512xbf16>
    %mul3A_55 = arith.mulf %add3A_42, %add3A_54 : vector<2048x512xbf16>
    %dot_general3A_56 = arith.constant dense<0.000000e+00> : vector<2048x128xf32>
    %dot_general3A_57 = tpu.matmul %mul3A_55, %get3A_4, %dot_general3A_56 {dimension_numbers = #tpu.dot_dimension_numbers<[1], [0], [0], [1], [0, 0, 1, 1], [], []>, transpose_lhs_hint = false} : vector<2048x512xbf16>, vector<512x128xbf16>, vector<2048x128xf32> -> vector<2048x128xf32>
    %add3A_58 = vector.broadcast %get3A_10 : vector<1x128xf32> to vector<2048x128xf32>
    %add3A_59 = arith.addf %dot_general3A_57, %add3A_58 : vector<2048x128xf32>
    %swap3A_60 = arith.constant 0 : index
    %swap3A_61 = arith.constant 0 : index
    %swap3A_62 = vector.load %arg10[%swap3A_60, %swap3A_61] : memref<2048x128xf32, #tpu.memory_space<vmem>>, vector<2048x128xf32>
    tpu.vector_store %arg10[%swap3A_60, %swap3A_61], %add3A_59 {strides = array<i32>} : memref<2048x128xf32, #tpu.memory_space<vmem>>, vector<2048x128xf32>,
    return
  }
  func.func @transform_0(%arg0: i32) -> (i32, i32) {
    %c0_i32 = arith.constant 0 : i32
    %c0_i32_0 = arith.constant 0 : i32
    return %arg0, %c0_i32 : i32, i32
  }
  func.func @transform_1(%arg0: i32) -> (i32, i32) {
    %c0_i32 = arith.constant 0 : i32
    %c0_i32_0 = arith.constant 0 : i32
    return %arg0, %c0_i32 : i32, i32
  }
  func.func @transform_2(%arg0: i32) -> (i32, i32) {
    %c0_i32 = arith.constant 0 : i32
    %c0_i32_0 = arith.constant 0 : i32
    %c0_i32_1 = arith.constant 0 : i32
    return %c0_i32, %c0_i32_0 : i32, i32
  }
  func.func @transform_3(%arg0: i32) -> (i32, i32) {
    %c0_i32 = arith.constant 0 : i32
    %c0_i32_0 = arith.constant 0 : i32
    %c0_i32_1 = arith.constant 0 : i32
    return %c0_i32, %c0_i32_0 : i32, i32
  }
  func.func @transform_4(%arg0: i32) -> (i32, i32) {
    %c0_i32 = arith.constant 0 : i32
    %c0_i32_0 = arith.constant 0 : i32
    %c0_i32_1 = arith.constant 0 : i32
    return %c0_i32, %c0_i32_0 : i32, i32
  }
  func.func @transform_5(%arg0: i32) -> (i32, i32) {
    %c0_i32 = arith.constant 0 : i32
    %c0_i32_0 = arith.constant 0 : i32
    %c0_i32_1 = arith.constant 0 : i32
    return %c0_i32, %c0_i32_0 : i32, i32
  }
  func.func @transform_8(%arg0: i32) -> (i32, i32) {
    %add3A = arith.constant 4 : i32
    %add3A_0 = arith.addi %arg0, %add3A : i32
    %c0_i32 = arith.constant 0 : i32
    %c0_i32_1 = arith.constant 0 : i32
    return %add3A_0, %c0_i32 : i32, i32
  }
  func.func @transform_9(%arg0: i32) -> (i32, i32) {
    %add3A = arith.constant 4 : i32
    %add3A_0 = arith.addi %arg0, %add3A : i32
    %c0_i32 = arith.constant 0 : i32
    %c0_i32_1 = arith.constant 0 : i32
    return %add3A_0, %c0_i32 : i32, i32
  }
}

module attributes {stable_mosaic.version = 14 : i64} {
  func.func @_mlp_body(%arg0: i32, %arg1: memref<2048x128xf32, #tpu.memory_space<vmem>>, %arg2: memref<2048x128xf32, #tpu.memory_space<vmem>>, %arg3: memref<128x512xbf16, #tpu.memory_space<vmem>>, %arg4: memref<1x512xbf16, #tpu.memory_space<vmem>>, %arg5: memref<512x128xbf16, #tpu.memory_space<vmem>>, %arg6: memref<1x128xf32, #tpu.memory_space<vmem>>, %arg7: memref<2048x128xf32, #tpu.memory_space<vmem>>, %arg8: memref<2048x128xf32, #tpu.memory_space<vmem>>) attributes {dimension_semantics = [#tpu.dimension_semantics<arbitrary>], iteration_bounds = array<i64: 4>, scalar_prefetch = 0 : i64, scratch_operands = 0 : i64, tpu.core_type = #tpu.core_type<tc>, window_params = [{transform_indices = @transform_0, window_bounds = array<i64: 2048, 128>}, {transform_indices = @transform_1, window_bounds = array<i64: 2048, 128>}, {pipeline_mode = #tpu.pipeline_mode<synchronous>, transform_indices = @transform_2, window_bounds = array<i64: 128, 512>}, {pipeline_mode = #tpu.pipeline_mode<synchronous>, transform_indices = @transform_3, window_bounds = array<i64: 1, 512>}, {pipeline_mode = #tpu.pipeline_mode<synchronous>, transform_indices = @transform_4, window_bounds = array<i64: 512, 128>}, {pipeline_mode = #tpu.pipeline_mode<synchronous>, transform_indices = @transform_5, window_bounds = array<i64: 1, 128>}, {transform_indices = @transform_6, window_bounds = array<i64: 2048, 128>}, {transform_indices = @transform_7, window_bounds = array<i64: 2048, 128>}]} {
    %get3A = arith.constant 0 : index
    %get3A_0 = arith.constant 0 : index
    %get3A_1 = vector.load %arg3[%get3A, %get3A_0] : memref<128x512xbf16, #tpu.memory_space<vmem>>, vector<128x512xbf16>
    %get3A_2 = arith.constant 0 : index
    %get3A_3 = arith.constant 0 : index
    %get3A_4 = vector.load %arg5[%get3A_2, %get3A_3] : memref<512x128xbf16, #tpu.memory_space<vmem>>, vector<512x128xbf16>
    %get3A_5 = arith.constant 0 : index
    %get3A_6 = arith.constant 0 : index
    %get3A_7 = vector.load %arg4[%get3A_5, %get3A_6] : memref<1x512xbf16, #tpu.memory_space<vmem>>, vector<1x512xbf16>
    %get3A_8 = arith.constant 0 : index
    %get3A_9 = arith.constant 0 : index
    %get3A_10 = vector.load %arg6[%get3A_8, %get3A_9] : memref<1x128xf32, #tpu.memory_space<vmem>>, vector<1x128xf32>
    %get3A_11 = arith.constant 0 : index
    %get3A_12 = arith.constant 0 : index
    %get3A_13 = vector.load %arg1[%get3A_11, %get3A_12] : memref<2048x128xf32, #tpu.memory_space<vmem>>, vector<2048x128xf32>
    %convert_element_type3A = arith.truncf %get3A_13 : vector<2048x128xf32> to vector<2048x128xbf16>
    %dot_general3A = arith.constant dense<0.000000e+00> : vector<2048x512xf32>
    %dot_general3A_14 = tpu.matmul %convert_element_type3A, %get3A_1, %dot_general3A {dimension_numbers = #tpu.dot_dimension_numbers<[1], [0], [0], [1], [0, 0, 1, 1], [], []>, transpose_lhs_hint = false} : vector<2048x128xbf16>, vector<128x512xbf16>, vector<2048x512xf32> -> vector<2048x512xf32>
    %convert_element_type3A_15 = arith.truncf %dot_general3A_14 : vector<2048x512xf32> to vector<2048x512xbf16>
    %add3A = vector.broadcast %get3A_7 : vector<1x512xbf16> to vector<2048x512xbf16>
    %add3A_16 = arith.addf %convert_element_type3A_15, %add3A : vector<2048x512xbf16>
    %mul3A = arith.mulf %add3A_16, %add3A_16 : vector<2048x512xbf16>
    %mul3A_17 = arith.constant 3.564450e-02 : bf16
    %mul3A_18 = vector.broadcast %mul3A_17 : bf16 to vector<2048x512xbf16>
    %mul3A_19 = arith.mulf %mul3A_18, %mul3A : vector<2048x512xbf16>
    %add3A_20 = arith.constant 7.968750e-01 : bf16
    %add3A_21 = vector.broadcast %add3A_20 : bf16 to vector<2048x512xbf16>
    %add3A_22 = arith.addf %add3A_21, %mul3A_19 : vector<2048x512xbf16>
    %mul3A_23 = arith.mulf %add3A_16, %add3A_22 : vector<2048x512xbf16>
    %tanh3A = math.tanh %mul3A_23 : vector<2048x512xbf16>
    %add3A_24 = arith.constant 1.000000e+00 : bf16
    %add3A_25 = vector.broadcast %add3A_24 : bf16 to vector<2048x512xbf16>
    %add3A_26 = arith.addf %add3A_25, %tanh3A : vector<2048x512xbf16>
    %mul3A_27 = arith.mulf %add3A_16, %add3A_26 : vector<2048x512xbf16>
    %dot_general3A_28 = arith.constant dense<0.000000e+00> : vector<2048x128xf32>
    %dot_general3A_29 = tpu.matmul %mul3A_27, %get3A_4, %dot_general3A_28 {dimension_numbers = #tpu.dot_dimension_numbers<[1], [0], [0], [1], [0, 0, 1, 1], [], []>, transpose_lhs_hint = false} : vector<2048x512xbf16>, vector<512x128xbf16>, vector<2048x128xf32> -> vector<2048x128xf32>
    %add3A_30 = vector.broadcast %get3A_10 : vector<1x128xf32> to vector<2048x128xf32>
    %add3A_31 = arith.addf %dot_general3A_29, %add3A_30 : vector<2048x128xf32>
    %swap3A = arith.constant 0 : index
    %swap3A_32 = arith.constant 0 : index
    %swap3A_33 = vector.load %arg7[%swap3A, %swap3A_32] : memref<2048x128xf32, #tpu.memory_space<vmem>>, vector<2048x128xf32>
    tpu.vector_store %arg7[%swap3A, %swap3A_32], %add3A_31 {strides = array<i32>} : memref<2048x128xf32, #tpu.memory_space<vmem>>, vector<2048x128xf32>,
    %get3A_34 = arith.constant 0 : index
    %get3A_35 = arith.constant 0 : index
    %get3A_36 = vector.load %arg2[%get3A_34, %get3A_35] : memref<2048x128xf32, #tpu.memory_space<vmem>>, vector<2048x128xf32>
    %convert_element_type3A_37 = arith.truncf %get3A_36 : vector<2048x128xf32> to vector<2048x128xbf16>
    %dot_general3A_38 = arith.constant dense<0.000000e+00> : vector<2048x512xf32>
    %dot_general3A_39 = tpu.matmul %convert_element_type3A_37, %get3A_1, %dot_general3A_38 {dimension_numbers = #tpu.dot_dimension_numbers<[1], [0], [0], [1], [0, 0, 1, 1], [], []>, transpose_lhs_hint = false} : vector<2048x128xbf16>, vector<128x512xbf16>, vector<2048x512xf32> -> vector<2048x512xf32>
    %convert_element_type3A_40 = arith.truncf %dot_general3A_39 : vector<2048x512xf32> to vector<2048x512xbf16>
    %add3A_41 = vector.broadcast %get3A_7 : vector<1x512xbf16> to vector<2048x512xbf16>
    %add3A_42 = arith.addf %convert_element_type3A_40, %add3A_41 : vector<2048x512xbf16>
    %mul3A_43 = arith.mulf %add3A_42, %add3A_42 : vector<2048x512xbf16>
    %mul3A_44 = arith.constant 3.564450e-02 : bf16
    %mul3A_45 = vector.broadcast %mul3A_44 : bf16 to vector<2048x512xbf16>
    %mul3A_46 = arith.mulf %mul3A_45, %mul3A_43 : vector<2048x512xbf16>
    %add3A_47 = arith.constant 7.968750e-01 : bf16
    %add3A_48 = vector.broadcast %add3A_47 : bf16 to vector<2048x512xbf16>
    %add3A_49 = arith.addf %add3A_48, %mul3A_46 : vector<2048x512xbf16>
    %mul3A_50 = arith.mulf %add3A_42, %add3A_49 : vector<2048x512xbf16>
    %tanh3A_51 = math.tanh %mul3A_50 : vector<2048x512xbf16>
    %add3A_52 = arith.constant 1.000000e+00 : bf16
    %add3A_53 = vector.broadcast %add3A_52 : bf16 to vector<2048x512xbf16>
    %add3A_54 = arith.addf %add3A_53, %tanh3A_51 : vector<2048x512xbf16>
    %mul3A_55 = arith.mulf %add3A_42, %add3A_54 : vector<2048x512xbf16>
    %dot_general3A_56 = arith.constant dense<0.000000e+00> : vector<2048x128xf32>
    %dot_general3A_57 = tpu.matmul %mul3A_55, %get3A_4, %dot_general3A_56 {dimension_numbers = #tpu.dot_dimension_numbers<[1], [0], [0], [1], [0, 0, 1, 1], [], []>, transpose_lhs_hint = false} : vector<2048x512xbf16>, vector<512x128xbf16>, vector<2048x128xf32> -> vector<2048x128xf32>
    %add3A_58 = vector.broadcast %get3A_10 : vector<1x128xf32> to vector<2048x128xf32>
    %add3A_59 = arith.addf %dot_general3A_57, %add3A_58 : vector<2048x128xf32>
    %swap3A_60 = arith.constant 0 : index
    %swap3A_61 = arith.constant 0 : index
    %swap3A_62 = vector.load %arg8[%swap3A_60, %swap3A_61] : memref<2048x128xf32, #tpu.memory_space<vmem>>, vector<2048x128xf32>
    tpu.vector_store %arg8[%swap3A_60, %swap3A_61], %add3A_59 {strides = array<i32>} : memref<2048x128xf32, #tpu.memory_space<vmem>>, vector<2048x128xf32>,
    return
  }
  func.func @transform_0(%arg0: i32) -> (i32, i32) {
    %c0_i32 = arith.constant 0 : i32
    %c0_i32_0 = arith.constant 0 : i32
    return %arg0, %c0_i32 : i32, i32
  }
  func.func @transform_1(%arg0: i32) -> (i32, i32) {
    %c0_i32 = arith.constant 0 : i32
    %c0_i32_0 = arith.constant 0 : i32
    return %arg0, %c0_i32 : i32, i32
  }
  func.func @transform_2(%arg0: i32) -> (i32, i32) {
    %c0_i32 = arith.constant 0 : i32
    %c0_i32_0 = arith.constant 0 : i32
    %c0_i32_1 = arith.constant 0 : i32
    return %c0_i32, %c0_i32_0 : i32, i32
  }
  func.func @transform_3(%arg0: i32) -> (i32, i32) {
    %c0_i32 = arith.constant 0 : i32
    %c0_i32_0 = arith.constant 0 : i32
    %c0_i32_1 = arith.constant 0 : i32
    return %c0_i32, %c0_i32_0 : i32, i32
  }
  func.func @transform_4(%arg0: i32) -> (i32, i32) {
    %c0_i32 = arith.constant 0 : i32
    %c0_i32_0 = arith.constant 0 : i32
    %c0_i32_1 = arith.constant 0 : i32
    return %c0_i32, %c0_i32_0 : i32, i32
  }
  func.func @transform_5(%arg0: i32) -> (i32, i32) {
    %c0_i32 = arith.constant 0 : i32
    %c0_i32_0 = arith.constant 0 : i32
    %c0_i32_1 = arith.constant 0 : i32
    return %c0_i32, %c0_i32_0 : i32, i32
  }
  func.func @transform_6(%arg0: i32) -> (i32, i32) {
    %add3A = arith.constant 0 : i32
    %add3A_0 = arith.addi %arg0, %add3A : i32
    %c0_i32 = arith.constant 0 : i32
    %c0_i32_1 = arith.constant 0 : i32
    return %add3A_0, %c0_i32 : i32, i32
  }
  func.func @transform_7(%arg0: i32) -> (i32, i32) {
    %add3A = arith.constant 0 : i32
    %add3A_0 = arith.addi %arg0, %add3A : i32
    %c0_i32 = arith.constant 0 : i32
    %c0_i32_1 = arith.constant 0 : i32
    return %add3A_0, %c0_i32 : i32, i32
  }
}

</mosaic_0001>

<sc_bundles>
// kernel: kernel.6.cloned.1.call-start
scs
__scs_entry_jumppad:
0x0: {  	(pc) =	sbr.rel $0x88, $3  }
0x1: {  	(tag) =	ssettag $0x0;
	lr =	simm.s32 $0x1  }
0x2: {  	[smem:$0x3F99] =	sst lr;
	_ =	strace $0xD0000000  }
0x3: {  	_ = 	snop  }
0x4: {  	_ = 	snop  }
0x5: {  	_ = 	snop  }
0x6: {  	_ = 	snop  }
0x7: {  	_ = 	snop  }
__scs_overlays_trampoline_lowered:
0x8: {  	[smem:$0x3FA8] =	sst s0  }
0x9: {  	[smem:$0x3FA9] =	sst s1  }
0xa: {  	[smem:$0x3FAA] =	sst s2  }
0xb: {  	[smem:$0x3FAB] =	sst s3  }
0xc: {  	[smem:$0x3FAC] =	sst s4  }
0xd: {  	[smem:$0x3FAD] =	sst s5  }
0xe: {  	[smem:$0x3FAE] =	sst s6  }
0xf: {  	[smem:$0x3FAF] =	sst s7  }
0x10: {  	[smem:$0x3FB0] =	sst s8  }
0x11: {  	[smem:$0x3FB1] =	sst s9;
	s0 =	simm.s32 @!p0 $0x0  }
0x12: {  	s1 =	sld [smem:$0x3F97];
	s0 =	simm.s32 @p0 $0x1  }
0x13: {  	[smem:$0x3FB2] =	sst s0;
	s0 =	simm.s32 @!p1 $0x0  }
0x14: {  	s2 =	sld [smem:$0x3F96];
	s0 =	simm.s32 @p1 $0x1  }
0x15: {  	[smem:$0x3FB3] =	sst s0;
	s0 =	simm.s32 @!p2 $0x0  }
0x16: {  	s3 =	sld [smem:$0x3FDB];
	s0 =	simm.s32 @p2 $0x1  }
0x17: {  	s4 =	simm.s32 $0x1BF5;
	[smem:$0x3FB5] =	sst s0  }
0x18: {  	s0 =	sld [smem:$0x3F98];
	_ =	swait.ge [sflag:s4], $0x0  }
0x19: {  	s7 =	sld [smem:$0x3F99]  }
0x1a: {  	s8 =	sadd.s32 $0xFFFFE003, lr  }
0x1b: {  	s9 =	sadd.s32 $0xFFFFFEF7, lr;
	s5 =	simm.s32 $0xFFFFFFFF;
	p2 =	slt.u32 s8, $0xFFFFF086  }
0x1c: {  	p1 =	slt.u32 s9, $0xF7A;
	s5 =	simm.s32 @!p2 $0x0  }
0x1d: {  	s5 =	simm.s32 @p1 $0x1;
	p0 =	seq.s32 s7, s2  }
0x1e: {  	s7 =	smul.u32 @!p0 $0xF7A, s2;
	p2 =	seq.s32 @!p0 s5, $0x0  }
0x1f: {  	s9 =	smul.u32 $0xF7A, s1;
	s8 =	simm.s32 @!p0 $0x1BF5;
	p2 =	por !p2, p0  }
0x20: {  	[sflag:s8] =	ssyncset.s32 @!p0 $0xFFFFF086;
	s6 =	sadd.s32 @!p0 s3, s7;
	s7 =	simm.s32 @!p0 $0x108  }
0x21: {  	s3 =	sadd.s32 s3, s9;
	s6 =	sadd.s32 @!p0 $0x88, s6;
	s7 =	simm.s32 @p2 $0x1082  }
0x22: {  	[simem:s7], [sflag:s8] =	dma.local @!p0 [hbm:s6], $0xF7A  }
0x23: {  	s9 =	sor.u32 $0xD0000000, s2;
	s6 =	simm.s32 $0x108;
	_ =	swait.ge @!p0 [sflag:s8], $0x0  }
0x24: {  	s3 =	sadd.s32 $0x88, s3;
	s6 =	simm.s32 @!p1 $0x1082;
	[sflag:s4] =	ssyncset.s32 $0xFFFFF086  }
0x25: {  	[simem:s6], [sflag:s4] =	dma.local [hbm:s3], $0xF7A  }
0x26: {  	[smem:$0x3F99] =	sst s1;
	(tag) =	ssettag s2;
	_ =	strace s9  }
0x27: {  	s1 =	sld [smem:$0x3FA9]  }
0x28: {  	s2 =	sld [smem:$0x3FAA]  }
0x29: {  	s4 =	sld [smem:$0x3FAC]  }
0x2a: {  	p0 =	seq.s32 s5, $0x0;
	s5 =	sld [smem:$0x3FAD]  }
0x2b: {  	s6 =	sld [smem:$0x3FAE]  }
0x2c: {  	s7 =	sld [smem:$0x3FAF]  }
0x2d: {  	s3 =	simm.s32 $0x108;
	s8 =	sld [smem:$0x3FB0]  }
0x2e: {  	s3 =	simm.s32 @!p0 $0x1082;
	s9 =	sld [smem:$0x3FB1]  }
0x2f: {  	lr =	sadd.s32 s0, s3;
	s0 =	sld [smem:$0x3FA8]  }
0x30: {  	s3 =	sld [smem:$0x3FAB]  }
0x31: {  	[smem:$0x3FB4] =	sst s10  }
0x32: {  	s10 =	sld [smem:$0x3FB2];
	_ =	sdelay $0x3  }
0x33: {  	p0 =	seq.s32 s10, $0x1;
	s10 =	sld [smem:$0x3FB4];
	_ =	sdelay $0x3  }
0x34: {  	[smem:$0x3FB4] =	sst s10  }
0x35: {  	s10 =	sld [smem:$0x3FB3];
	_ =	sdelay $0x3  }
0x36: {  	p1 =	seq.s32 s10, $0x1;
	s10 =	sld [smem:$0x3FB4];
	_ =	sdelay $0x3  }
0x37: {  	[smem:$0x3FB4] =	sst s10  }
0x38: {  	s10 =	sld [smem:$0x3FB5]  }
0x39: {  	_ = 	snop;
	(pc) =	sbr.ind lr, $3  }
0x3a: {  	_ = 	snop  }
0x3b: {  	_ = 	snop  }
0x3c: {  	p2 =	seq.s32 s10, $0x1;
	s10 =	sld [smem:$0x3FB4]  }
0x3d: {  	_ =	shalt  }
0x3e: {  	_ =	shalt  }
0x3f: {  	_ =	shalt  }
0x40: {  	_ =	shalt  }
0x41: {  	_ =	shalt  }
0x42: {  	_ =	shalt  }
0x43: {  	_ =	shalt  }
0x44: {  	_ =	shalt  }
0x45: {  	_ =	shalt  }
0x46: {  	_ =	shalt  }
0x47: {  	_ =	shalt  }
0x48: {  	_ =	shalt  }
0x49: {  	_ =	shalt  }
0x4a: {  	_ =	shalt  }
0x4b: {  	_ =	shalt  }
0x4c: {  	_ =	shalt  }
0x4d: {  	_ =	shalt  }
0x4e: {  	_ =	shalt  }
0x4f: {  	_ =	shalt  }
0x50: {  	_ =	shalt  }
0x51: {  	_ =	shalt  }
0x52: {  	_ =	shalt  }
0x53: {  	_ =	shalt  }
0x54: {  	_ =	shalt  }
0x55: {  	_ =	shalt  }
0x56: {  	_ =	shalt  }
0x57: {  	_ =	shalt  }
0x58: {  	_ =	shalt  }
0x59: {  	_ =	shalt  }
0x5a: {  	_ =	shalt  }
0x5b: {  	_ =	shalt  }
0x5c: {  	_ =	shalt  }
0x5d: {  	_ =	shalt  }
0x5e: {  	_ =	shalt  }
0x5f: {  	_ =	shalt  }
0x60: {  	_ =	shalt  }
0x61: {  	_ =	shalt  }
0x62: {  	_ =	shalt  }
0x63: {  	_ =	shalt  }
0x64: {  	_ =	shalt  }
0x65: {  	_ =	shalt  }
0x66: {  	_ =	shalt  }
0x67: {  	_ =	shalt  }
0x68: {  	_ =	shalt  }
0x69: {  	_ =	shalt  }
0x6a: {  	_ =	shalt  }
0x6b: {  	_ =	shalt  }
0x6c: {  	_ =	shalt  }
0x6d: {  	_ =	shalt  }
0x6e: {  	_ =	shalt  }
0x6f: {  	_ =	shalt  }
0x70: {  	_ =	shalt  }
0x71: {  	_ =	shalt  }
0x72: {  	_ =	shalt  }
0x73: {  	_ =	shalt  }
0x74: {  	_ =	shalt  }
0x75: {  	_ =	shalt  }
0x76: {  	_ =	shalt  }
0x77: {  	_ =	shalt  }
0x78: {  	_ =	shalt  }
0x79: {  	_ =	shalt  }
0x7a: {  	_ =	shalt  }
0x7b: {  	_ =	shalt  }
0x7c: {  	_ =	shalt  }
0x7d: {  	_ =	shalt  }
0x7e: {  	_ =	shalt  }
0x7f: {  	_ =	shalt  }
0x80: {  	_ =	shalt  }
0x81: {  	_ =	shalt  }
0x82: {  	_ =	shalt  }
0x83: {  	_ =	shalt  }
0x84: {  	_ =	shalt  }
0x85: {  	_ =	shalt  }
0x86: {  	_ =	shalt  }
0x87: {  	_ =	shalt  }
.Lfunc_end0:
.L_simem_size_0:
called_computation_lowered:
.L_overlay_start_0:
0x88: {  	s2 =	sld [smem:$0x3FD9]  }
0x89: {  	s3 =	sld [smem:$0x3FFE];
	_ =	sdelay $0x1  }
0x8a: {  	s1 =	srdreg.scid  }
0x8b: {  	s0 =	sand.u32 $0x1, s1  }
0x8c: {  	s14 =	sshll.u32 s0, $0xA;
	s2 =	sadd.s32 s3, s2  }
0x8d: {  	s2 =	sadd.s32 s2, s14  }
0x8e: {  	[smem:$0x3FC0] =	sst s2  }
0x8f: {  	_ = 	snop  }
0x90: {  	s2 =	sld [smem:$0x3FD0];
	_ =	sdelay $0x1  }
0x91: {  	s15 =	sld [smem:$0x3FC7]  }
0x92: {  	s5 =	simm.s32 $0xB;
	s6 =	simm.s32 $0x10;
	s4 =	sld [smem:$0x3FC6]  }
0x93: {  	[smem:s6], [sflag:s5] =	dma.local [hbm:s2], $0x1  }
0x94: {  	_ =	swait.eq [sflag:s5], $0x1  }
0x95: {  	[sflag:s5] =	ssyncset.done $0x0  }
0x96: {  	s16 =	sld [smem:$0x10];
	[sflag:s5] =	ssyncadd.s32 $0xFFFFFFFF  }
0x97: {  	s17 =	sld [smem:$0x11];
	(tm) =	ssettm $0x1  }
0x98: {  	s18 =	sld [smem:$0x3FFB];
	_ =	sdelay $0x3  }
0x99: {  	_ =	strace s18  }
0x9a: {  	s6 =	sld [smem:$0x3FFC];
	_ =	sdelay $0x3  }
0x9b: {  	_ =	strace s6  }
0x9c: {  	s6 =	sld [smem:$0x3FFD];
	_ =	sdelay $0x3  }
0x9d: {  	_ =	strace s6  }
0x9e: {  	_ =	strace $0x8FFFFFFF  }
0x9f: {  	s19 =	sld [smem:$0x3FDB];
	_ =	sdelay $0x1  }
0xa0: {  	s7 =	simm.s32 $_scs_section_size  }
0xa1: {  	s8 =	simm.s32 $_size__tile_overlayer_lowered;
	s9 =	simm.s32 $_tile_overlayer_lowered  }
0xa2: {  	s22 =	simm.s32 $0x1BFF;
	s21 =	sshll.u32 s9, $0x1;
	s6 =	sadd.s32 s7, s19  }
0xa3: {  	s10 =	simm.s32 $0x0;
	s20 =	sshll.u32 s8, $0x1;
	s8 =	sadd.s32 s21, s6  }
0xa4: {  	[timem:s10], [sflag:s22] =	dma.local [hbm:s8], s20  }
0xa5: {  	_ =	swait.ge [sflag:s22], s20  }
0xa6: {  	s7 =	ssub.s32 $0x0, s20;
	[sflag:s22] =	ssyncset.done $0x0  }
0xa7: {  	[sflag:s22] =	ssyncadd.s32 s7;
	_ =	sdelay $0x1  }
0xa8: {  	s23 =	simm.s32 $0x1B8B  }
0xa9: {  	_ =	swait.ge [sflag:s23], $0x1  }
0xaa: {  	[sflag:s23] =	ssyncset.done $0x0  }
0xab: {  	s25 =	simm.s32 $0x1B8E;
	s24 =	sld [smem:$0x3FFE];
	[sflag:s23] =	ssyncadd.s32 $0xFFFFFFFF  }
0xac: {  	s26 =	simm.s32 $execute0_lowered;
	[smem:$0x3FD2] =	sst s25  }
0xad: {  	s8 =	sshll.u32 s26, $0x1;
	_ =	strace $0x80000046;
	[dreg:$0x1] =	wrdreg $0xFFFFFFFF  }
0xae: {  	s28 =	simm.s32 $_size_execute0_lowered;
	s6 =	sadd.s32 s6, s8;
	[dreg:$0x0] =	wrdreg $0x0  }
0xaf: {  	s8 =	sshll.u32 s28, $0x1;
	[dreg:$0x2] =	wrdreg s6  }
0xb0: {  	[dreg:$0x3] =	wrdreg s8  }
0xb1: {  	[dreg:$0x4] =	wrdreg $0xC0  }
0xb2: {  	_ =	task [dreg:s10], $0x5FFFF  }
0xb3: {  	[dreg:$0x1] =	wrdreg $0xFFFFFFFF  }
0xb4: {  	[dreg:$0x0] =	wrdreg $0x60  }
0xb5: {  	[dreg:$0x2] =	wrdreg s15  }
0xb6: {  	[dreg:$0x3] =	wrdreg s4  }
0xb7: {  	[dreg:$0x4] =	wrdreg s24  }
0xb8: {  	[dreg:$0x5] =	wrdreg s17  }
0xb9: {  	[dreg:$0x6] =	wrdreg s16  }
0xba: {  	[dreg:$0x7] =	wrdreg $0x9  }
0xbb: {  	_ =	task.clear_ibuf [dreg:s10], $0x8FFFF;
	_ =	strace $0x90000046  }
0xbc: {  	s29 =	simm.s32 $0x9;
	_ =	strace $0x80000048  }
0xbd: {  	_ =	swait.ge [sflag:s29], $0x1  }
0xbe: {  	[sflag:s29] =	ssyncadd.s32 $0xFFFFFFFF  }
0xbf: {  	_ =	strace $0x90000048  }
0xc0: {  	_ =	sfence  }
0xc1: {  	s30 =	sld [smem:$0x0];
	_ =	sdelay $0x2  }
0xc2: {  	s31 =	sshll.u32 s1, $0xD;
	s1 =	sshrl.u32 s1, $0x2  }
0xc3: {  	s3 =	sand.u32 $0x4000, s31;
	s1 =	sadd.s32 s1, s30  }
0xc4: {  	s0 =	sor.u32 s3, s0;
	s1 =	sshll.u32 s1, $0x11  }
0xc5: {  	s0 =	sor.u32 s1, s0  }
0xc6: {  	s0 =	sadd.s32 $0x8F2B, s0  }
0xc7: {  	[sflag:s0] =	ssyncadd.remote.s32 $0x1  }
0xc8: {  	_ =	sfence.sel $0xFFFF  }
0xc9: {  	[dreg:$0x0] =	wrdreg $0xFFFFFFFF;
	(pc) =	sbr.abs _section_cstart, $3  }
0xca: {  	[dreg:$0x1] =	wrdreg $0xFFFFFFFF  }
0xcb: {  	_ =	task.clear_ibuf [dreg:s10], $0x2FFFF;
	_ =	strace $0x9FFFFFFF  }
0xcc: {  	(tm) =	ssettm $0x7FFFFFFF  }
0xcd: {  	_ =	shalt  }
tec
execute0_lowered:
.L_overlay_start_1:
0x0: {  	(tag) =	ssettag $0x1  }
0x1: {  	s1 =	rddreg [dreg:$0x0]  }
0x2: {  	s2 =	rddreg [dreg:$0x1];
	s3 =	srdreg.scid  }
0x3: {  	s5 =	rddreg [dreg:$0x2];
	s0 =	stileid.u32;
	s18 =	sand.u32 $0x1, s3  }
0x4: {  	s15 =	rddreg [dreg:$0x3];
	s30 =	sshll.u32 s0, $0x9;
	s4 =	sshll.u32 s18, $0x8  }
0x5: {  	s19 =	rddreg [dreg:$0x4];
	s13 =	sor.u32 s4, s30  }
0x6: {  	s3 =	rddreg [dreg:$0x5];
	s4 =	simm.s32 $0x0;
	s6 =	sshrl.u32 s13, $0x3  }
0x7: {  	[smem:$0x7FF] =	sst s4;
	s7 =	sadd.s32 s6, s5  }
0x8: {  	_ =	strace $0x80000047;
	s5 =	simm.s32 $0x3;
	s6 =	sadd.s32 $0x2800, s7  }
0x9: {  	[tilespmem:s4], [sflag:$0x3] =	stream.linear.gather [hbm4b:s6+s4], $0x100, $0x38;
	[tilespmem:$0x8200] =	vst v63  }
0xa: {  	_ =	swait.ge [sflag:s5], $0x100  }
0xb: {  	[sflag:s5] =	ssyncset.done $0x0  }
0xc: {  	s8 =	simm.s32 $0x100;
	s7 =	sadd.s32 $0x2400, s7;
	[sflag:s5] =	ssyncadd.s32 $0xFFFFFF00  }
0xd: {  	[tilespmem:s8], [sflag:$0x3] =	stream.linear.gather [hbm4b:s7+s4], $0x100, $0x38;
	[tilespmem:$0x8200] =	vst v63  }
0xe: {  	_ =	swait.ge [sflag:s5], $0x100  }
0xf: {  	[sflag:s5] =	ssyncset.done $0x0  }
0x10: {  	s9 =	simm.s32 $0x80;
	s10 =	simm.s32 $0x200;
	[sflag:s5] =	ssyncadd.s32 $0xFFFFFF00  }
0x11: {  	[tilespmem:s10], [sflag:$0x1] =	stream.indirect.gather [hbm4b:s1+s9], $0x80, s4, s9, $0xb8;
	[tilespmem:$0x8200] =	vst v63  }
0x12: {  	s11 =	simm.s32 $0x4200;
	s12 =	simm.s32 $0x1  }
0x13: {  	[tilespmem:s11], [sflag:$0x2] =	stream.indirect.gather [hbm4b:s1+s9], $0x80, s9, s9, $0xb8;
	[tilespmem:$0x8200] =	vst v63  }
0x14: {  	_ =	swait.ge [sflag:s12], $0x4000  }
0x15: {  	s17 =	sshll.u32 s13, $0x4;
	[sflag:s12] =	ssyncset.done $0x0  }
0x16: {  	s13 =	sadd.s32 s15, s17;
	[sflag:s12] =	ssyncadd.s32 $0xFFFFC000  }
0x17: {  	[hbm4b:s13+s4] =	stream.linear.scatter [tilespmem:s10], [sflag:$0x3], $0x4000, $0x38;
	[tilespmem:$0x8200] =	vst v63  }
0x18: {  	_ =	swait.ge [sflag:s5], $0x4000  }
0x19: {  	[sflag:s5] =	ssyncset.done $0x0  }
0x1a: {  	s14 =	simm.s32 $0x2;
	[sflag:s5] =	ssyncadd.s32 $0xFFFFC000  }
0x1b: {  	[tilespmem:s10], [sflag:$0x1] =	stream.indirect.gather [hbm4b:s2+s9], $0x80, s8, s9, $0xb8;
	[tilespmem:$0x8200] =	vst v63  }
0x1c: {  	_ =	swait.ge [sflag:s14], $0x4000  }
0x1d: {  	s20 =	sor.u32 $0x800, s17;
	[sflag:s14] =	ssyncset.done $0x0  }
0x1e: {  	s15 =	sadd.s32 s15, s20;
	[sflag:s14] =	ssyncadd.s32 $0xFFFFC000  }
0x1f: {  	[hbm4b:s15+s4] =	stream.linear.scatter [tilespmem:s11], [sflag:$0x3], $0x4000, $0x38;
	[tilespmem:$0x8200] =	vst v63  }
0x20: {  	_ =	swait.ge [sflag:s5], $0x4000  }
0x21: {  	[sflag:s5] =	ssyncset.done $0x0  }
0x22: {  	s16 =	simm.s32 $0x180;
	[sflag:s5] =	ssyncadd.s32 $0xFFFFC000  }
0x23: {  	[tilespmem:s11], [sflag:$0x2] =	stream.indirect.gather [hbm4b:s2+s9], $0x80, s16, s9, $0xb8;
	[tilespmem:$0x8200] =	vst v63  }
0x24: {  	_ =	swait.ge [sflag:s12], $0x4000  }
0x25: {  	[sflag:s12] =	ssyncset.done $0x0  }
0x26: {  	s18 =	ssub.s32 $0x2, s18;
	s17 =	sadd.s32 s19, s17;
	[sflag:s12] =	ssyncadd.s32 $0xFFFFC000  }
0x27: {  	[hbm4b:s17+s4] =	stream.linear.scatter [tilespmem:s10], [sflag:$0x3], $0x4000, $0x38;
	[tilespmem:$0x8200] =	vst v63  }
0x28: {  	s21 =	sshrl.u32 s18, $0x1;
	_ =	swait.ge [sflag:s5], $0x4000  }
0x29: {  	s21 =	ssub.s32 s18, s21;
	[sflag:s5] =	ssyncset.done $0x0  }
0x2a: {  	s31 =	smax.u32 s21, $0x1;
	[sflag:s5] =	ssyncadd.s32 $0xFFFFC000  }
0x2b: {  	p0 =	sne.s32 s31, $0x1;
	_ =	swait.ge [sflag:s14], $0x4000  }
.Ltmp0:
0x2c: {  	[sflag:s14] =	ssyncset.done $0x0;
	(pc) =	sbr.rel @!p0 .LBB2_2-.Ltmp0, $4  }
0x2d: {  	s18 =	sadd.s32 s19, s20;
	[sflag:s14] =	ssyncadd.s32 $0xFFFFC000  }
0x2e: {  	[hbm4b:s18+s4] =	stream.linear.scatter [tilespmem:s11], [sflag:$0x3], $0x4000, $0x38;
	[tilespmem:$0x8200] =	vst v63  }
0x2f: {  	_ =	swait.ge [sflag:s5], $0x4000  }
0x30: {  	s19 =	sadd.s32 $0xFFFFFFFF, s31;
	[sflag:s5] =	ssyncset.done $0x0  }
.LBB2_1:
0x31: {  	p0 =	sne.s32 s19, $0x1;
	s19 =	sadd.s32 $0xFFFFFFFF, s19;
	[sflag:s5] =	ssyncadd.s32 $0xFFFFC000  }
0x32: {  	[tilespmem:s4], [sflag:$0x3] =	stream.linear.gather [hbm4b:s6+s4], $0x100, $0x38;
	[tilespmem:$0x8200] =	vst v63  }
0x33: {  	_ =	swait.ge [sflag:s5], $0x100  }
0x34: {  	[sflag:s5] =	ssyncset.done $0x0  }
0x35: {  	[sflag:s5] =	ssyncadd.s32 $0xFFFFFF00  }
0x36: {  	[tilespmem:s8], [sflag:$0x3] =	stream.linear.gather [hbm4b:s7+s4], $0x100, $0x38;
	[tilespmem:$0x8200] =	vst v63  }
0x37: {  	_ =	swait.ge [sflag:s5], $0x100  }
0x38: {  	[sflag:s5] =	ssyncset.done $0x0  }
0x39: {  	[sflag:s5] =	ssyncadd.s32 $0xFFFFFF00  }
0x3a: {  	[tilespmem:s10], [sflag:$0x1] =	stream.indirect.gather [hbm4b:s1+s9], $0x80, s4, s9, $0xb8;
	[tilespmem:$0x8200] =	vst v63  }
0x3b: {  	_ = 	snop  }
0x3c: {  	[tilespmem:s11], [sflag:$0x2] =	stream.indirect.gather [hbm4b:s1+s9], $0x80, s9, s9, $0xb8;
	[tilespmem:$0x8200] =	vst v63  }
0x3d: {  	_ =	swait.ge [sflag:s12], $0x4000  }
0x3e: {  	[sflag:s12] =	ssyncset.done $0x0  }
0x3f: {  	[sflag:s12] =	ssyncadd.s32 $0xFFFFC000  }
0x40: {  	[hbm4b:s13+s4] =	stream.linear.scatter [tilespmem:s10], [sflag:$0x3], $0x4000, $0x38;
	[tilespmem:$0x8200] =	vst v63  }
0x41: {  	_ =	swait.ge [sflag:s5], $0x4000  }
0x42: {  	[sflag:s5] =	ssyncset.done $0x0  }
0x43: {  	[sflag:s5] =	ssyncadd.s32 $0xFFFFC000  }
0x44: {  	[tilespmem:s10], [sflag:$0x1] =	stream.indirect.gather [hbm4b:s2+s9], $0x80, s8, s9, $0xb8;
	[tilespmem:$0x8200] =	vst v63  }
0x45: {  	_ =	swait.ge [sflag:s14], $0x4000  }
0x46: {  	[sflag:s14] =	ssyncset.done $0x0  }
0x47: {  	[sflag:s14] =	ssyncadd.s32 $0xFFFFC000  }
0x48: {  	[hbm4b:s15+s4] =	stream.linear.scatter [tilespmem:s11], [sflag:$0x3], $0x4000, $0x38;
	[tilespmem:$0x8200] =	vst v63  }
0x49: {  	_ =	swait.ge [sflag:s5], $0x4000  }
0x4a: {  	[sflag:s5] =	ssyncset.done $0x0  }
0x4b: {  	[sflag:s5] =	ssyncadd.s32 $0xFFFFC000  }
0x4c: {  	[tilespmem:s11], [sflag:$0x2] =	stream.indirect.gather [hbm4b:s2+s9], $0x80, s16, s9, $0xb8;
	[tilespmem:$0x8200] =	vst v63  }
0x4d: {  	_ =	swait.ge [sflag:s12], $0x4000  }
0x4e: {  	[sflag:s12] =	ssyncset.done $0x0  }
0x4f: {  	[sflag:s12] =	ssyncadd.s32 $0xFFFFC000  }
0x50: {  	[hbm4b:s17+s4] =	stream.linear.scatter [tilespmem:s10], [sflag:$0x3], $0x4000, $0x38;
	[tilespmem:$0x8200] =	vst v63  }
0x51: {  	_ =	swait.ge [sflag:s5], $0x4000  }
0x52: {  	[sflag:s5] =	ssyncset.done $0x0  }
0x53: {  	[sflag:s5] =	ssyncadd.s32 $0xFFFFC000  }
0x54: {  	_ =	swait.ge [sflag:s14], $0x4000  }
.Ltmp1:
0x55: {  	[sflag:s14] =	ssyncset.done $0x0;
	(pc) =	sbr.rel @p0 .LBB2_1-.Ltmp1, $4  }
0x56: {  	[sflag:s14] =	ssyncadd.s32 $0xFFFFC000  }
0x57: {  	[hbm4b:s18+s4] =	stream.linear.scatter [tilespmem:s11], [sflag:$0x3], $0x4000, $0x38;
	[tilespmem:$0x8200] =	vst v63  }
0x58: {  	_ =	swait.ge [sflag:s5], $0x4000  }
0x59: {  	[sflag:s5] =	ssyncset.done $0x0  }
.LBB2_2:
0x5a: {  	[sflag:s5] =	ssyncadd.s32 $0xFFFFC000  }
0x5b: {  	_ =	sfence.sel $0x180000  }
0x5c: {  	[bflag:$0x0] =	sbarrier.arrive $0xFFFF  }
0x5d: {  	p0 =	sne.s32 s0, $0x0;
	_ =	strace $0x90000047  }
0x5e: {  	s0 =	sadd.s32 @!p0 $0x100000, s3;
	[bflag:$0x2] =	sbarrier.arrive $0xFFFF  }
0x5f: {  	[sflag:s0] =	ssyncadd.tile.s32 @!p0 $0x1;
	_ =	shalt  }
.Lfunc_end2:
_tile_overlayer_lowered:
.L_overlay_start_2:
0x60: {  	(tag) =	ssettag $0x2  }
0x61: {  	s0 =	rddreg [dreg:$0x0];
	s2 =	stileid.u32  }
0x62: {  	s1 =	rddreg [dreg:$0x1];
	p0 =	sne.s32 s2, $0x0  }
0x63: {  	s3 =	rddreg [dreg:$0x2];
	[bflag:$0x3] =	sbarrier.arrive $0xFFFF;
	s2 =	simm.s32 @!p0 $0x1C03  }
0x64: {  	[timem:s3], [sflag:s2] =	dma.local @!p0 [hbm:s0], s1  }
0x65: {  	s0 =	simm.s32 @!p0 $0x3  }
0x66: {  	_ =	swait.ge @!p0 [sflag:s0], s1  }
0x67: {  	s1 =	ssub.s32 @!p0 $0x0, s1;
	[sflag:s0] =	ssyncset.done @!p0 $0x0  }
0x68: {  	[sflag:s0] =	ssyncadd.s32 @!p0 s1  }
0x69: {  	[bflag:$0x3] =	sbarrier.arrive $0xFFFF  }
0x6a: {  	_ =	shalt  }

// kernel: kernel.9.cloned.1.call-start
scs
__scs_entry_jumppad:
0x0: {  	(pc) =	sbr.rel $0x88, $3  }
0x1: {  	(tag) =	ssettag $0x0;
	lr =	simm.s32 $0x1  }
0x2: {  	[smem:$0x3F99] =	sst lr;
	_ =	strace $0xD0000000  }
0x3: {  	_ = 	snop  }
0x4: {  	_ = 	snop  }
0x5: {  	_ = 	snop  }
0x6: {  	_ = 	snop  }
0x7: {  	_ = 	snop  }
__scs_overlays_trampoline_lowered:
0x8: {  	[smem:$0x3FA8] =	sst s0  }
0x9: {  	[smem:$0x3FA9] =	sst s1  }
0xa: {  	[smem:$0x3FAA] =	sst s2  }
0xb: {  	[smem:$0x3FAB] =	sst s3  }
0xc: {  	[smem:$0x3FAC] =	sst s4  }
0xd: {  	[smem:$0x3FAD] =	sst s5  }
0xe: {  	[smem:$0x3FAE] =	sst s6  }
0xf: {  	[smem:$0x3FAF] =	sst s7  }
0x10: {  	[smem:$0x3FB0] =	sst s8  }
0x11: {  	[smem:$0x3FB1] =	sst s9;
	s0 =	simm.s32 @!p0 $0x0  }
0x12: {  	s1 =	sld [smem:$0x3F97];
	s0 =	simm.s32 @p0 $0x1  }
0x13: {  	[smem:$0x3FB2] =	sst s0;
	s0 =	simm.s32 @!p1 $0x0  }
0x14: {  	s2 =	sld [smem:$0x3F96];
	s0 =	simm.s32 @p1 $0x1  }
0x15: {  	[smem:$0x3FB3] =	sst s0;
	s0 =	simm.s32 @!p2 $0x0  }
0x16: {  	s3 =	sld [smem:$0x3FDB];
	s0 =	simm.s32 @p2 $0x1  }
0x17: {  	s4 =	simm.s32 $0x1BF5;
	[smem:$0x3FB5] =	sst s0  }
0x18: {  	s0 =	sld [smem:$0x3F98];
	_ =	swait.ge [sflag:s4], $0x0  }
0x19: {  	s7 =	sld [smem:$0x3F99]  }
0x1a: {  	s8 =	sadd.s32 $0xFFFFE003, lr  }
0x1b: {  	s9 =	sadd.s32 $0xFFFFFEF7, lr;
	s5 =	simm.s32 $0xFFFFFFFF;
	p2 =	slt.u32 s8, $0xFFFFF086  }
0x1c: {  	p1 =	slt.u32 s9, $0xF7A;
	s5 =	simm.s32 @!p2 $0x0  }
0x1d: {  	s5 =	simm.s32 @p1 $0x1;
	p0 =	seq.s32 s7, s2  }
0x1e: {  	s7 =	smul.u32 @!p0 $0xF7A, s2;
	p2 =	seq.s32 @!p0 s5, $0x0  }
0x1f: {  	s9 =	smul.u32 $0xF7A, s1;
	s8 =	simm.s32 @!p0 $0x1BF5;
	p2 =	por !p2, p0  }
0x20: {  	[sflag:s8] =	ssyncset.s32 @!p0 $0xFFFFF086;
	s6 =	sadd.s32 @!p0 s3, s7;
	s7 =	simm.s32 @!p0 $0x108  }
0x21: {  	s3 =	sadd.s32 s3, s9;
	s6 =	sadd.s32 @!p0 $0x88, s6;
	s7 =	simm.s32 @p2 $0x1082  }
0x22: {  	[simem:s7], [sflag:s8] =	dma.local @!p0 [hbm:s6], $0xF7A  }
0x23: {  	s9 =	sor.u32 $0xD0000000, s2;
	s6 =	simm.s32 $0x108;
	_ =	swait.ge @!p0 [sflag:s8], $0x0  }
0x24: {  	s3 =	sadd.s32 $0x88, s3;
	s6 =	simm.s32 @!p1 $0x1082;
	[sflag:s4] =	ssyncset.s32 $0xFFFFF086  }
0x25: {  	[simem:s6], [sflag:s4] =	dma.local [hbm:s3], $0xF7A  }
0x26: {  	[smem:$0x3F99] =	sst s1;
	(tag) =	ssettag s2;
	_ =	strace s9  }
0x27: {  	s1 =	sld [smem:$0x3FA9]  }
0x28: {  	s2 =	sld [smem:$0x3FAA]  }
0x29: {  	s4 =	sld [smem:$0x3FAC]  }
0x2a: {  	p0 =	seq.s32 s5, $0x0;
	s5 =	sld [smem:$0x3FAD]  }
0x2b: {  	s6 =	sld [smem:$0x3FAE]  }
0x2c: {  	s7 =	sld [smem:$0x3FAF]  }
0x2d: {  	s3 =	simm.s32 $0x108;
	s8 =	sld [smem:$0x3FB0]  }
0x2e: {  	s3 =	simm.s32 @!p0 $0x1082;
	s9 =	sld [smem:$0x3FB1]  }
0x2f: {  	lr =	sadd.s32 s0, s3;
	s0 =	sld [smem:$0x3FA8]  }
0x30: {  	s3 =	sld [smem:$0x3FAB]  }
0x31: {  	[smem:$0x3FB4] =	sst s10  }
0x32: {  	s10 =	sld [smem:$0x3FB2];
	_ =	sdelay $0x3  }
0x33: {  	p0 =	seq.s32 s10, $0x1;
	s10 =	sld [smem:$0x3FB4];
	_ =	sdelay $0x3  }
0x34: {  	[smem:$0x3FB4] =	sst s10  }
0x35: {  	s10 =	sld [smem:$0x3FB3];
	_ =	sdelay $0x3  }
0x36: {  	p1 =	seq.s32 s10, $0x1;
	s10 =	sld [smem:$0x3FB4];
	_ =	sdelay $0x3  }
0x37: {  	[smem:$0x3FB4] =	sst s10  }
0x38: {  	s10 =	sld [smem:$0x3FB5]  }
0x39: {  	_ = 	snop;
	(pc) =	sbr.ind lr, $3  }
0x3a: {  	_ = 	snop  }
0x3b: {  	_ = 	snop  }
0x3c: {  	p2 =	seq.s32 s10, $0x1;
	s10 =	sld [smem:$0x3FB4]  }
0x3d: {  	_ =	shalt  }
0x3e: {  	_ =	shalt  }
0x3f: {  	_ =	shalt  }
0x40: {  	_ =	shalt  }
0x41: {  	_ =	shalt  }
0x42: {  	_ =	shalt  }
0x43: {  	_ =	shalt  }
0x44: {  	_ =	shalt  }
0x45: {  	_ =	shalt  }
0x46: {  	_ =	shalt  }
0x47: {  	_ =	shalt  }
0x48: {  	_ =	shalt  }
0x49: {  	_ =	shalt  }
0x4a: {  	_ =	shalt  }
0x4b: {  	_ =	shalt  }
0x4c: {  	_ =	shalt  }
0x4d: {  	_ =	shalt  }
0x4e: {  	_ =	shalt  }
0x4f: {  	_ =	shalt  }
0x50: {  	_ =	shalt  }
0x51: {  	_ =	shalt  }
0x52: {  	_ =	shalt  }
0x53: {  	_ =	shalt  }
0x54: {  	_ =	shalt  }
0x55: {  	_ =	shalt  }
0x56: {  	_ =	shalt  }
0x57: {  	_ =	shalt  }
0x58: {  	_ =	shalt  }
0x59: {  	_ =	shalt  }
0x5a: {  	_ =	shalt  }
0x5b: {  	_ =	shalt  }
0x5c: {  	_ =	shalt  }
0x5d: {  	_ =	shalt  }
0x5e: {  	_ =	shalt  }
0x5f: {  	_ =	shalt  }
0x60: {  	_ =	shalt  }
0x61: {  	_ =	shalt  }
0x62: {  	_ =	shalt  }
0x63: {  	_ =	shalt  }
0x64: {  	_ =	shalt  }
0x65: {  	_ =	shalt  }
0x66: {  	_ =	shalt  }
0x67: {  	_ =	shalt  }
0x68: {  	_ =	shalt  }
0x69: {  	_ =	shalt  }
0x6a: {  	_ =	shalt  }
0x6b: {  	_ =	shalt  }
0x6c: {  	_ =	shalt  }
0x6d: {  	_ =	shalt  }
0x6e: {  	_ =	shalt  }
0x6f: {  	_ =	shalt  }
0x70: {  	_ =	shalt  }
0x71: {  	_ =	shalt  }
0x72: {  	_ =	shalt  }
0x73: {  	_ =	shalt  }
0x74: {  	_ =	shalt  }
0x75: {  	_ =	shalt  }
0x76: {  	_ =	shalt  }
0x77: {  	_ =	shalt  }
0x78: {  	_ =	shalt  }
0x79: {  	_ =	shalt  }
0x7a: {  	_ =	shalt  }
0x7b: {  	_ =	shalt  }
0x7c: {  	_ =	shalt  }
0x7d: {  	_ =	shalt  }
0x7e: {  	_ =	shalt  }
0x7f: {  	_ =	shalt  }
0x80: {  	_ =	shalt  }
0x81: {  	_ =	shalt  }
0x82: {  	_ =	shalt  }
0x83: {  	_ =	shalt  }
0x84: {  	_ =	shalt  }
0x85: {  	_ =	shalt  }
0x86: {  	_ =	shalt  }
0x87: {  	_ =	shalt  }
.Lfunc_end0:
.L_simem_size_0:
called_computation.1_lowered:
.L_overlay_start_0:
0x88: {  	s2 =	sld [smem:$0x3FD9]  }
0x89: {  	s3 =	sld [smem:$0x3FFE];
	_ =	sdelay $0x1  }
0x8a: {  	s1 =	srdreg.scid  }
0x8b: {  	s0 =	sand.u32 $0x1, s1  }
0x8c: {  	s17 =	sshll.u32 s0, $0xA;
	s2 =	sadd.s32 s3, s2  }
0x8d: {  	s2 =	sadd.s32 s2, s17  }
0x8e: {  	[smem:$0x3FC0] =	sst s2  }
0x8f: {  	_ = 	snop  }
0x90: {  	s18 =	sld [smem:$0x3FC7]  }
0x91: {  	s4 =	sld [smem:$0x3FC6];
	(tm) =	ssettm $0x1  }
0x92: {  	s19 =	sld [smem:$0x3FFB];
	_ =	sdelay $0x3  }
0x93: {  	_ =	strace s19  }
0x94: {  	s2 =	sld [smem:$0x3FFC];
	_ =	sdelay $0x3  }
0x95: {  	_ =	strace s2  }
0x96: {  	s2 =	sld [smem:$0x3FFD];
	_ =	sdelay $0x3  }
0x97: {  	_ =	strace s2  }
0x98: {  	_ =	strace $0x8FFFFFFF  }
0x99: {  	s20 =	sld [smem:$0x3FDB];
	_ =	sdelay $0x1  }
0x9a: {  	s5 =	simm.s32 $_scs_section_size  }
0x9b: {  	s6 =	simm.s32 $_size__tile_overlayer_lowered;
	s7 =	simm.s32 $_tile_overlayer_lowered  }
0x9c: {  	s8 =	simm.s32 $0x1BFF;
	s21 =	sshll.u32 s7, $0x1;
	s5 =	sadd.s32 s5, s20  }
0x9d: {  	s22 =	simm.s32 $0x0;
	s6 =	sshll.u32 s6, $0x1;
	s7 =	sadd.s32 s21, s5  }
0x9e: {  	[timem:s22], [sflag:s8] =	dma.local [hbm:s7], s6  }
0x9f: {  	_ =	swait.ge [sflag:s8], s6  }
0xa0: {  	s6 =	ssub.s32 $0x0, s6;
	[sflag:s8] =	ssyncset.done $0x0  }
0xa1: {  	[sflag:s8] =	ssyncadd.s32 s6;
	_ =	sdelay $0x1  }
0xa2: {  	s23 =	simm.s32 $0x1B8B  }
0xa3: {  	_ =	swait.ge [sflag:s23], $0x1  }
0xa4: {  	[sflag:s23] =	ssyncset.done $0x0  }
0xa5: {  	[sflag:s23] =	ssyncadd.s32 $0xFFFFFFFF  }
0xa6: {  	s6 =	sld [smem:$0x0]  }
0xa7: {  	s7 =	sand.u32 $0xFFFFFFFE, s1  }
0xa8: {  	p0 =	sne.s32 s1, s7  }
0xa9: {  	s7 =	sshll.u32 @p0 s7, $0xE  }
0xaa: {  	s7 =	sadd.s32 @p0 $0x11B8D, s7;
	s8 =	sshll.u32 @p0 s6, $0x11  }
0xab: {  	s7 =	sor.u32 @p0 s8, s7  }
0xac: {  	[sflag:s7] =	ssyncadd.remote.s32 @p0 $0x1;
	_ =	sdelay $0x1  }
0xad: {  	s7 =	simm.s32 @p0 $0x1B8D  }
0xae: {  	_ =	swait.eq @p0 [sflag:s7], $0x1  }
0xaf: {  	[sflag:s7] =	ssyncadd.s32 @p0 $0xFFFFFFFF  }
0xb0: {  	s8 =	sshll.u32 @!p0 s1, $0xE  }
0xb1: {  	s8 =	sor.u32 @!p0 $0x4000, s8;
	s7 =	simm.s32 @!p0 $0x1B8D  }
0xb2: {  	s6 =	sshll.u32 @!p0 s6, $0x11;
	s8 =	sadd.s32 @!p0 $0x11B8D, s8;
	_ =	swait.eq @!p0 [sflag:s7], $0x1  }
0xb3: {  	s6 =	sor.u32 @!p0 s6, s8;
	[sflag:s7] =	ssyncadd.s32 @!p0 $0xFFFFFFFF  }
0xb4: {  	s25 =	simm.s32 $0x1B8E;
	s24 =	sld [smem:$0x3FFE];
	[sflag:s6] =	ssyncadd.remote.s32 @!p0 $0x1  }
0xb5: {  	s26 =	simm.s32 $execute0_lowered;
	[smem:$0x3FD2] =	sst s25  }
0xb6: {  	s7 =	sshll.u32 s26, $0x1;
	_ =	strace $0x80000049;
	[dreg:$0x1] =	wrdreg $0xFFFFFFFF  }
0xb7: {  	s28 =	simm.s32 $_size_execute0_lowered;
	s5 =	sadd.s32 s5, s7;
	[dreg:$0x0] =	wrdreg $0x0  }
0xb8: {  	s7 =	sshll.u32 s28, $0x1;
	[dreg:$0x2] =	wrdreg s5  }
0xb9: {  	[dreg:$0x3] =	wrdreg s7  }
0xba: {  	[dreg:$0x4] =	wrdreg $0xC0  }
0xbb: {  	_ =	task [dreg:s22], $0x5FFFF  }
0xbc: {  	[dreg:$0x1] =	wrdreg $0xFFFFFFFF  }
0xbd: {  	[dreg:$0x0] =	wrdreg $0x60  }
0xbe: {  	[dreg:$0x2] =	wrdreg s18  }
0xbf: {  	[dreg:$0x3] =	wrdreg s4  }
0xc0: {  	[dreg:$0x4] =	wrdreg s24  }
0xc1: {  	[dreg:$0x5] =	wrdreg $0xA  }
0xc2: {  	_ =	task.clear_ibuf [dreg:s22], $0x6FFFF;
	_ =	strace $0x90000049  }
0xc3: {  	s29 =	simm.s32 $0xA;
	_ =	strace $0x8000004B  }
0xc4: {  	_ =	swait.ge [sflag:s29], $0x1  }
0xc5: {  	[sflag:s29] =	ssyncadd.s32 $0xFFFFFFFF  }
0xc6: {  	_ =	strace $0x9000004B  }
0xc7: {  	_ =	sfence  }
0xc8: {  	s30 =	sld [smem:$0x0];
	_ =	sdelay $0x2  }
0xc9: {  	s31 =	sshll.u32 s1, $0xD;
	s1 =	sshrl.u32 s1, $0x2  }
0xca: {  	s4 =	sand.u32 $0x4000, s31;
	s1 =	sadd.s32 s1, s30  }
0xcb: {  	s0 =	sor.u32 s4, s0;
	s1 =	sshll.u32 s1, $0x11  }
0xcc: {  	s0 =	sor.u32 s1, s0  }
0xcd: {  	s0 =	sadd.s32 $0x8F2B, s0  }
0xce: {  	[sflag:s0] =	ssyncadd.remote.s32 $0x1  }
0xcf: {  	_ =	sfence.sel $0xFFFF  }
0xd0: {  	[dreg:$0x0] =	wrdreg $0xFFFFFFFF;
	(pc) =	sbr.abs _section_cstart, $3  }
0xd1: {  	[dreg:$0x1] =	wrdreg $0xFFFFFFFF  }
0xd2: {  	_ =	task.clear_ibuf [dreg:s22], $0x2FFFF;
	_ =	strace $0x9FFFFFFF  }
0xd3: {  	(tm) =	ssettm $0x7FFFFFFF  }
tec
execute0_lowered:
.L_overlay_start_1:
0x0: {  	(tag) =	ssettag $0x1  }
0x1: {  	s2 =	srdreg.scid  }
0x2: {  	s1 =	rddreg [dreg:$0x0];
	s0 =	stileid.u32;
	s18 =	sand.u32 $0x1, s2  }
0x3: {  	s3 =	rddreg [dreg:$0x1];
	s30 =	sshll.u32 s0, $0x9;
	s4 =	sshll.u32 s18, $0x8  }
0x4: {  	s17 =	rddreg [dreg:$0x2];
	s13 =	sor.u32 s4, s30  }
0x5: {  	s2 =	rddreg [dreg:$0x3];
	s4 =	simm.s32 $0x0;
	s5 =	sshrl.u32 s13, $0x3  }
0x6: {  	[smem:$0x7FF] =	sst s4;
	s7 =	sadd.s32 s5, s17  }
0x7: {  	_ =	strace $0x8000004A;
	s5 =	simm.s32 $0x3;
	s6 =	sadd.s32 $0x3000, s7  }
0x8: {  	[tilespmem:s4], [sflag:$0x3] =	stream.linear.gather [hbm4b:s6+s4], $0x100, $0x38;
	[tilespmem:$0x8200] =	vst v63  }
0x9: {  	_ =	swait.ge [sflag:s5], $0x100  }
0xa: {  	[sflag:s5] =	ssyncset.done $0x0  }
0xb: {  	s8 =	simm.s32 $0x100;
	s7 =	sadd.s32 $0x2C00, s7;
	[sflag:s5] =	ssyncadd.s32 $0xFFFFFF00  }
0xc: {  	[tilespmem:s8], [sflag:$0x3] =	stream.linear.gather [hbm4b:s7+s4], $0x100, $0x38;
	[tilespmem:$0x8200] =	vst v63  }
0xd: {  	_ =	swait.ge [sflag:s5], $0x100  }
0xe: {  	[sflag:s5] =	ssyncset.done $0x0  }
0xf: {  	s9 =	simm.s32 $0x80;
	s10 =	simm.s32 $0x200;
	[sflag:s5] =	ssyncadd.s32 $0xFFFFFF00  }
0x10: {  	[tilespmem:s10], [sflag:$0x1] =	stream.indirect.gather [hbm4b:s1+s9], $0x80, s4, s9, $0xb8;
	[tilespmem:$0x8200] =	vst v63  }
0x11: {  	s11 =	simm.s32 $0x4200;
	s12 =	simm.s32 $0x1  }
0x12: {  	[tilespmem:s11], [sflag:$0x2] =	stream.indirect.gather [hbm4b:s1+s9], $0x80, s9, s9, $0xb8;
	[tilespmem:$0x8200] =	vst v63  }
0x13: {  	_ =	swait.ge [sflag:s12], $0x4000  }
0x14: {  	s15 =	sadd.s32 $0x3400, s17;
	s19 =	sshll.u32 s13, $0x4;
	[sflag:s12] =	ssyncset.done $0x0  }
0x15: {  	s13 =	sadd.s32 s15, s19;
	[sflag:s12] =	ssyncadd.s32 $0xFFFFC000  }
0x16: {  	[hbm4b:s13+s4] =	stream.linear.scatter [tilespmem:s10], [sflag:$0x3], $0x4000, $0x38;
	[tilespmem:$0x8200] =	vst v63  }
0x17: {  	_ =	swait.ge [sflag:s5], $0x4000  }
0x18: {  	[sflag:s5] =	ssyncset.done $0x0  }
0x19: {  	s14 =	simm.s32 $0x2;
	[sflag:s5] =	ssyncadd.s32 $0xFFFFC000  }
0x1a: {  	[tilespmem:s10], [sflag:$0x1] =	stream.indirect.gather [hbm4b:s3+s9], $0x80, s8, s9, $0xb8;
	[tilespmem:$0x8200] =	vst v63  }
0x1b: {  	_ =	swait.ge [sflag:s14], $0x4000  }
0x1c: {  	s20 =	sor.u32 $0x800, s19;
	[sflag:s14] =	ssyncset.done $0x0  }
0x1d: {  	s15 =	sadd.s32 s15, s20;
	[sflag:s14] =	ssyncadd.s32 $0xFFFFC000  }
0x1e: {  	[hbm4b:s15+s4] =	stream.linear.scatter [tilespmem:s11], [sflag:$0x3], $0x4000, $0x38;
	[tilespmem:$0x8200] =	vst v63  }
0x1f: {  	_ =	swait.ge [sflag:s5], $0x4000  }
0x20: {  	[sflag:s5] =	ssyncset.done $0x0  }
0x21: {  	s16 =	simm.s32 $0x180;
	[sflag:s5] =	ssyncadd.s32 $0xFFFFC000  }
0x22: {  	[tilespmem:s11], [sflag:$0x2] =	stream.indirect.gather [hbm4b:s3+s9], $0x80, s16, s9, $0xb8;
	[tilespmem:$0x8200] =	vst v63  }
0x23: {  	_ =	swait.ge [sflag:s12], $0x4000  }
0x24: {  	s21 =	sadd.s32 $0x23400, s17;
	[sflag:s12] =	ssyncset.done $0x0  }
0x25: {  	s18 =	ssub.s32 $0x2, s18;
	s17 =	sadd.s32 s21, s19;
	[sflag:s12] =	ssyncadd.s32 $0xFFFFC000  }
0x26: {  	[hbm4b:s17+s4] =	stream.linear.scatter [tilespmem:s10], [sflag:$0x3], $0x4000, $0x38;
	[tilespmem:$0x8200] =	vst v63  }
0x27: {  	s31 =	sshrl.u32 s18, $0x1;
	_ =	swait.ge [sflag:s5], $0x4000  }
0x28: {  	s19 =	ssub.s32 s18, s31;
	[sflag:s5] =	ssyncset.done $0x0  }
0x29: {  	s19 =	smax.u32 s19, $0x1;
	[sflag:s5] =	ssyncadd.s32 $0xFFFFC000  }
0x2a: {  	p0 =	sne.s32 s19, $0x1;
	_ =	swait.ge [sflag:s14], $0x4000  }
.Ltmp0:
0x2b: {  	[sflag:s14] =	ssyncset.done $0x0;
	(pc) =	sbr.rel @!p0 .LBB2_2-.Ltmp0, $4  }
0x2c: {  	s18 =	sadd.s32 s21, s20;
	[sflag:s14] =	ssyncadd.s32 $0xFFFFC000  }
0x2d: {  	[hbm4b:s18+s4] =	stream.linear.scatter [tilespmem:s11], [sflag:$0x3], $0x4000, $0x38;
	[tilespmem:$0x8200] =	vst v63  }
0x2e: {  	_ =	swait.ge [sflag:s5], $0x4000  }
0x2f: {  	s19 =	sadd.s32 $0xFFFFFFFF, s19;
	[sflag:s5] =	ssyncset.done $0x0  }
.LBB2_1:
0x30: {  	p0 =	sne.s32 s19, $0x1;
	s19 =	sadd.s32 $0xFFFFFFFF, s19;
	[sflag:s5] =	ssyncadd.s32 $0xFFFFC000  }
0x31: {  	[tilespmem:s4], [sflag:$0x3] =	stream.linear.gather [hbm4b:s6+s4], $0x100, $0x38;
	[tilespmem:$0x8200] =	vst v63  }
0x32: {  	_ =	swait.ge [sflag:s5], $0x100  }
0x33: {  	[sflag:s5] =	ssyncset.done $0x0  }
0x34: {  	[sflag:s5] =	ssyncadd.s32 $0xFFFFFF00  }
0x35: {  	[tilespmem:s8], [sflag:$0x3] =	stream.linear.gather [hbm4b:s7+s4], $0x100, $0x38;
	[tilespmem:$0x8200] =	vst v63  }
0x36: {  	_ =	swait.ge [sflag:s5], $0x100  }
0x37: {  	[sflag:s5] =	ssyncset.done $0x0  }
0x38: {  	[sflag:s5] =	ssyncadd.s32 $0xFFFFFF00  }
0x39: {  	[tilespmem:s10], [sflag:$0x1] =	stream.indirect.gather [hbm4b:s1+s9], $0x80, s4, s9, $0xb8;
	[tilespmem:$0x8200] =	vst v63  }
0x3a: {  	_ = 	snop  }
0x3b: {  	[tilespmem:s11], [sflag:$0x2] =	stream.indirect.gather [hbm4b:s1+s9], $0x80, s9, s9, $0xb8;
	[tilespmem:$0x8200] =	vst v63  }
0x3c: {  	_ =	swait.ge [sflag:s12], $0x4000  }
0x3d: {  	[sflag:s12] =	ssyncset.done $0x0  }
0x3e: {  	[sflag:s12] =	ssyncadd.s32 $0xFFFFC000  }
0x3f: {  	[hbm4b:s13+s4] =	stream.linear.scatter [tilespmem:s10], [sflag:$0x3], $0x4000, $0x38;
	[tilespmem:$0x8200] =	vst v63  }
0x40: {  	_ =	swait.ge [sflag:s5], $0x4000  }
0x41: {  	[sflag:s5] =	ssyncset.done $0x0  }
0x42: {  	[sflag:s5] =	ssyncadd.s32 $0xFFFFC000  }
0x43: {  	[tilespmem:s10], [sflag:$0x1] =	stream.indirect.gather [hbm4b:s3+s9], $0x80, s8, s9, $0xb8;
	[tilespmem:$0x8200] =	vst v63  }
0x44: {  	_ =	swait.ge [sflag:s14], $0x4000  }
0x45: {  	[sflag:s14] =	ssyncset.done $0x0  }
0x46: {  	[sflag:s14] =	ssyncadd.s32 $0xFFFFC000  }
0x47: {  	[hbm4b:s15+s4] =	stream.linear.scatter [tilespmem:s11], [sflag:$0x3], $0x4000, $0x38;
	[tilespmem:$0x8200] =	vst v63  }
0x48: {  	_ =	swait.ge [sflag:s5], $0x4000  }
0x49: {  	[sflag:s5] =	ssyncset.done $0x0  }
0x4a: {  	[sflag:s5] =	ssyncadd.s32 $0xFFFFC000  }
0x4b: {  	[tilespmem:s11], [sflag:$0x2] =	stream.indirect.gather [hbm4b:s3+s9], $0x80, s16, s9, $0xb8;
	[tilespmem:$0x8200] =	vst v63  }
0x4c: {  	_ =	swait.ge [sflag:s12], $0x4000  }
0x4d: {  	[sflag:s12] =	ssyncset.done $0x0  }
0x4e: {  	[sflag:s12] =	ssyncadd.s32 $0xFFFFC000  }
0x4f: {  	[hbm4b:s17+s4] =	stream.linear.scatter [tilespmem:s10], [sflag:$0x3], $0x4000, $0x38;
	[tilespmem:$0x8200] =	vst v63  }
0x50: {  	_ =	swait.ge [sflag:s5], $0x4000  }
0x51: {  	[sflag:s5] =	ssyncset.done $0x0  }
0x52: {  	[sflag:s5] =	ssyncadd.s32 $0xFFFFC000  }
0x53: {  	_ =	swait.ge [sflag:s14], $0x4000  }
.Ltmp1:
0x54: {  	[sflag:s14] =	ssyncset.done $0x0;
	(pc) =	sbr.rel @p0 .LBB2_1-.Ltmp1, $4  }
0x55: {  	[sflag:s14] =	ssyncadd.s32 $0xFFFFC000  }
0x56: {  	[hbm4b:s18+s4] =	stream.linear.scatter [tilespmem:s11], [sflag:$0x3], $0x4000, $0x38;
	[tilespmem:$0x8200] =	vst v63  }
0x57: {  	_ =	swait.ge [sflag:s5], $0x4000  }
0x58: {  	[sflag:s5] =	ssyncset.done $0x0  }
.LBB2_2:
0x59: {  	[sflag:s5] =	ssyncadd.s32 $0xFFFFC000  }
0x5a: {  	_ =	sfence.sel $0x180000  }
0x5b: {  	[bflag:$0x0] =	sbarrier.arrive $0xFFFF  }
0x5c: {  	p0 =	sne.s32 s0, $0x0;
	_ =	strace $0x9000004A  }
0x5d: {  	s0 =	sadd.s32 @!p0 $0x100000, s2;
	[bflag:$0x2] =	sbarrier.arrive $0xFFFF  }
0x5e: {  	[sflag:s0] =	ssyncadd.tile.s32 @!p0 $0x1;
	_ =	shalt  }
.Lfunc_end2:
_tile_overlayer_lowered:
.L_overlay_start_2:
0x5f: {  	(tag) =	ssettag $0x2  }
0x60: {  	s0 =	rddreg [dreg:$0x0];
	s2 =	stileid.u32  }
0x61: {  	s1 =	rddreg [dreg:$0x1];
	p0 =	sne.s32 s2, $0x0  }
0x62: {  	s3 =	rddreg [dreg:$0x2];
	[bflag:$0x3] =	sbarrier.arrive $0xFFFF;
	s2 =	simm.s32 @!p0 $0x1C03  }
0x63: {  	[timem:s3], [sflag:s2] =	dma.local @!p0 [hbm:s0], s1  }
0x64: {  	s0 =	simm.s32 @!p0 $0x3  }
0x65: {  	_ =	swait.ge @!p0 [sflag:s0], s1  }
0x66: {  	s1 =	ssub.s32 @!p0 $0x0, s1;
	[sflag:s0] =	ssyncset.done @!p0 $0x0  }
0x67: {  	[sflag:s0] =	ssyncadd.s32 @!p0 s1  }
0x68: {  	[bflag:$0x3] =	sbarrier.arrive $0xFFFF  }
0x69: {  	_ =	shalt  }

</sc_bundles>
